<compile_context>
chip_gen: v7x
topology: tpu7x:2x2x1
jax: 0.10.2.dev20260603
libtpu: 0.0.44.dev20260713+nightly
codegen_flags: <defaults>
</compile_context>

<pallas_src>
import functools

import jax
import jax.numpy as jnp
from jax import lax
from jax.experimental import pallas as pl
from jax.experimental.pallas import tpu as pltpu
from jax.experimental.pallas import tpu_sc as plsc

_B = 16384
_D = 256
_R = 2048
_NB = _B // _R

_NW = 32
_C = _B // _NW
_CC = 128
_NCH = _C // _CC


def _gelu_exact(x):
    return 0.5 * x * (1.0 + lax.erf(x * (2.0 ** -0.5)))


_sc_mesh = plsc.VectorSubcoreMesh(core_axis_name="c", subcore_axis_name="s")


@functools.partial(
    pl.kernel,
    mesh=_sc_mesh,
    out_type=jax.ShapeDtypeStruct((_B, 4, _D), jnp.float32),
    scratch_types=[
        pltpu.VMEM((_CC,), jnp.int32),
        pltpu.VMEM((_CC,), jnp.int32),
        pltpu.VMEM((_CC, _D), jnp.float32),
        pltpu.VMEM((_CC, _D), jnp.float32),
        pltpu.SemaphoreType.DMA,
        pltpu.SemaphoreType.DMA,
    ],
)
def _sc_writer(gidx_hbm, aidx_hbm, gtab_hbm, atab_hbm, out_hbm,
               gidx_v, aidx_v, grow_v, arow_v, gsem, asem):
    wid = lax.axis_index("s") * 2 + lax.axis_index("c")
    base = wid * _C
    for t in range(_NCH):
        b0 = base + t * _CC
        pltpu.sync_copy(gidx_hbm.at[pl.ds(b0, _CC)], gidx_v)
        pltpu.sync_copy(aidx_hbm.at[pl.ds(b0, _CC)], aidx_v)
        pltpu.async_copy(gtab_hbm.at[gidx_v], grow_v, gsem).wait()
        pltpu.async_copy(atab_hbm.at[aidx_v], arow_v, asem).wait()
        pltpu.sync_copy(grow_v, out_hbm.at[pl.ds(b0, _CC), 1, :])
        pltpu.sync_copy(arow_v, out_hbm.at[pl.ds(b0, _CC), 2, :])


def _tc_body(partial_ref, xt_ref, cls_ref, bmb_ref,
             w1_ref, b1_ref, w2_ref, b2_ref, w3_ref, b3_ref, out_ref,
             buf_ref, sem_ref):
    i = pl.program_id(0)
    s = lax.rem(i, 2)
    r = _R

    def copies(step, slot, plane):
        return pltpu.make_async_copy(
            buf_ref.at[lax.rem(step, 2), plane],
            out_ref.at[pl.ds(step * _R, _R), slot, :],
            sem_ref.at[lax.rem(step, 2), plane])

    @pl.when(i >= 2)
    def _():
        copies(i - 2, 0, 0).wait()
        copies(i - 2, 3, 1).wait()

    buf_ref[s, 0] = jnp.broadcast_to(cls_ref[...], (r, _D))
    copies(i, 0, 0).start()

    h = lax.dot_general(xt_ref[...], w1_ref[...], (((0,), (0,)), ((), ())),
                        preferred_element_type=jnp.float32) + b1_ref[...]
    h = _gelu_exact(h)
    h = jnp.dot(h, w2_ref[...], preferred_element_type=jnp.float32) + b2_ref[...]
    h = _gelu_exact(h)
    h = jnp.dot(h, w3_ref[...], preferred_element_type=jnp.float32) + b3_ref[...]
    buf_ref[s, 1] = h + bmb_ref[...]
    copies(i, 3, 1).start()

    @pl.when(i == _NB - 1)
    def _():
        copies(i - 1, 0, 0).wait()
        copies(i - 1, 3, 1).wait()
        copies(i, 0, 0).wait()
        copies(i, 3, 1).wait()


def kernel(user_gender, user_age_bin, user_born_mort, cls_param, gender_table,
           age_table, born_mort_bias, W1, b1, W2, b2, W3, b3):
    n = user_born_mort.shape[0]
    xt = user_born_mort.T

    partial_out = _sc_writer(user_gender.astype(jnp.int32),
                             user_age_bin.astype(jnp.int32),
                             gender_table, age_table)

    full = lambda shape: pl.BlockSpec(shape, lambda i: (0,) * len(shape))
    out3d = pl.pallas_call(
        _tc_body,
        grid=(_NB,),
        in_specs=[
            pl.BlockSpec(memory_space=pl.ANY),
            pl.BlockSpec((13, _R), lambda i: (0, i)),
            full((1, _D)),
            full((1, _D)),
            full((13, 64)),
            full((1, 64)),
            full((64, 128)),
            full((1, 128)),
            full((128, _D)),
            full((1, _D)),
        ],
        out_specs=pl.BlockSpec(memory_space=pl.ANY),
        out_shape=jax.ShapeDtypeStruct((n, 4, _D), jnp.float32),
        input_output_aliases={0: 0},
        scratch_shapes=[
            pltpu.VMEM((2, 2, _R, _D), jnp.float32),
            pltpu.SemaphoreType.DMA((2, 2)),
        ],
        compiler_params=pltpu.CompilerParams(
            dimension_semantics=("arbitrary",)),
    )(partial_out, xt, cls_param, born_mort_bias,
      W1, b1.reshape(1, 64), W2, b2.reshape(1, 128), W3, b3.reshape(1, _D))

    mask = jnp.ones((n, 4), dtype=jnp.int32)
    return (out3d, mask)

# --- scband reference (transcript-rebuilt; emitter-appended) ---
"""Pipeline reference for scband-user-vectorizer-15951508537938 (READ-ONLY COPY).

The authoritative reference and input builder live on the scoring server;
editing this copy changes nothing except your own understanding.
"""

import jax, jax.numpy as jnp
import numpy as np

B = 16384
D = 256

def setup_inputs(seed: int = 0) -> dict:
    key = jax.random.key(seed)
    ks = jax.random.split(key, 13)
    user_gender = jax.random.randint(ks[0], (B,), 0, 2)
    user_age_bin = jax.random.randint(ks[1], (B,), 0, 7)
    user_born_mort = jax.random.normal(ks[2], (B, 13), dtype=jnp.float32)
    cls_param = jax.random.normal(ks[3], (1, D), dtype=jnp.float32)
    gender_table = jax.random.normal(ks[4], (2, D), dtype=jnp.float32)
    age_table = jax.random.normal(ks[5], (7, D), dtype=jnp.float32)
    born_mort_bias = jax.random.normal(ks[6], (1, D), dtype=jnp.float32)
    W1 = jax.random.normal(ks[7], (13, 64), dtype=jnp.float32) * 0.1
    b1 = jnp.zeros((64,), dtype=jnp.float32)
    W2 = jax.random.normal(ks[8], (64, 128), dtype=jnp.float32) * 0.1
    b2 = jnp.zeros((128,), dtype=jnp.float32)
    W3 = jax.random.normal(ks[9], (128, D), dtype=jnp.float32) * 0.1
    b3 = jnp.zeros((D,), dtype=jnp.float32)
    return {
        'user_gender': user_gender,
        'user_age_bin': user_age_bin,
        'user_born_mort': user_born_mort,
        'cls_param': cls_param,
        'gender_table': gender_table,
        'age_table': age_table,
        'born_mort_bias': born_mort_bias,
        'W1': W1, 'b1': b1, 'W2': W2, 'b2': b2, 'W3': W3, 'b3': b3,
    }

def reference(user_gender, user_age_bin, user_born_mort, cls_param, gender_table,
              age_table, born_mort_bias, W1, b1, W2, b2, W3, b3):
    # embedding lookups (SparseCore gathers)
    gender_emb = jnp.take(gender_table, user_gender, axis=0)
    age_emb = jnp.take(age_table, user_age_bin, axis=0)
    # MLP(13 -> 64 -> 128 -> 256) with exact GELU, dropout inactive (eval)
    h = jax.nn.gelu(user_born_mort @ W1 + b1, approximate=False)
    h = jax.nn.gelu(h @ W2 + b2, approximate=False)
    h = h @ W3 + b3
    n = user_born_mort.shape[0]
    born_mort_emb = h + jnp.tile(born_mort_bias, (n, 1))
    cls_emb = jnp.tile(cls_param, (gender_emb.shape[0], 1))
    all_emb = jnp.stack([cls_emb, gender_emb, age_emb, born_mort_emb], axis=1)
    mask = jnp.ones((all_emb.shape[0], all_emb.shape[1]), dtype=jnp.int32)
    return (all_emb, mask)

if __name__ == "__main__":
    import jax
    _d = setup_inputs()
    print(jax.jit(kernel)(*tuple(_d.values())))

</pallas_src>

<mosaic_0001>
#map = affine_map<(d0, d1) -> (0)>
#map1 = affine_map<(d0, d1) -> (0, 0)>
#map2 = affine_map<(d0, d1) -> (0, 0, 0)>
module attributes {stable_mosaic.version = 14 : i64} {
  func.func @_sc_writer(%arg0: i32, %arg1: i32, %arg2: memref<16384xi32, #tpu.memory_space<hbm>>, %arg3: memref<16384xi32, #tpu.memory_space<hbm>>, %arg4: memref<2x256xf32, #tpu.memory_space<hbm>>, %arg5: memref<7x256xf32, #tpu.memory_space<hbm>>, %arg6: memref<16384x4x256xf32, #tpu.memory_space<hbm>>, %arg7: memref<128xi32, #tpu.memory_space<vmem>>, %arg8: memref<128xi32, #tpu.memory_space<vmem>>, %arg9: memref<128x256xf32, #tpu.memory_space<vmem>>, %arg10: memref<128x256xf32, #tpu.memory_space<vmem>>, %arg11: memref<!tpu.dma_semaphore, #tpu.memory_space<semaphore_mem>>, %arg12: memref<!tpu.dma_semaphore, #tpu.memory_space<semaphore_mem>>) attributes {dimension_semantics = [#tpu.dimension_semantics<core_parallel>, #tpu.dimension_semantics<subcore_parallel>], iteration_bounds = array<i64: 2, 16>, scalar_prefetch = 0 : i64, scratch_operands = 6 : i64, tpu.core_type = #tpu.core_type<sc_vector_subcore>, window_params = [{transform_indices = #map}, {transform_indices = #map}, {transform_indices = #map1}, {transform_indices = #map1}, {transform_indices = #map2}]} {
    %mul3A = arith.constant 2 : i32
    %mul3A_0 = arith.muli %arg1, %mul3A : i32
    %add3A = arith.addi %mul3A_0, %arg0 : i32
    %mul3A_1 = arith.constant 512 : i32
    %mul3A_2 = arith.muli %add3A, %mul3A_1 : i32
    %add3A_3 = arith.constant 0 : i32
    %add3A_4 = arith.addi %mul3A_2, %add3A_3 : i32
    "tpu.region"() ({
      %run_scoped3A_64 = tpu.sem_alloc : memref<!tpu.dma_semaphore, #tpu.memory_space<semaphore_mem>>
      %dma_start3A_65 = tpu.memref_slice %arg2[%add3A_4] : memref<16384xi32, #tpu.memory_space<hbm>> -> memref<128xi32, #tpu.memory_space<hbm>>
      %dma_start3A_66 = tpu.memref_slice %arg2[%add3A_4] : memref<16384xi32, #tpu.memory_space<hbm>> -> memref<128xi32, #tpu.memory_space<hbm>>
      tpu.enqueue_dma source(%dma_start3A_66 : memref<128xi32, #tpu.memory_space<hbm>>) target(%arg7 : memref<128xi32, #tpu.memory_space<vmem>>) target_semaphore(%run_scoped3A_64 : memref<!tpu.dma_semaphore, #tpu.memory_space<semaphore_mem>>)
      %dma_wait3A_67 = tpu.memref_slice %arg2[%add3A_4] : memref<16384xi32, #tpu.memory_space<hbm>> -> memref<128xi32, #tpu.memory_space<hbm>>
      %dma_wait3A_68 = tpu.memref_slice %arg2[%add3A_4] : memref<16384xi32, #tpu.memory_space<hbm>> -> memref<128xi32, #tpu.memory_space<hbm>>
      tpu.wait_dma2 semaphore(%run_scoped3A_64 : memref<!tpu.dma_semaphore, #tpu.memory_space<semaphore_mem>>) src(%dma_wait3A_68 : memref<128xi32, #tpu.memory_space<hbm>>) dst(%arg7 : memref<128xi32, #tpu.memory_space<vmem>>)
      tpu.yield
    }) : () -> ()
    "tpu.region"() ({
      %run_scoped3A_64 = tpu.sem_alloc : memref<!tpu.dma_semaphore, #tpu.memory_space<semaphore_mem>>
      %dma_start3A_65 = tpu.memref_slice %arg3[%add3A_4] : memref<16384xi32, #tpu.memory_space<hbm>> -> memref<128xi32, #tpu.memory_space<hbm>>
      %dma_start3A_66 = tpu.memref_slice %arg3[%add3A_4] : memref<16384xi32, #tpu.memory_space<hbm>> -> memref<128xi32, #tpu.memory_space<hbm>>
      tpu.enqueue_dma source(%dma_start3A_66 : memref<128xi32, #tpu.memory_space<hbm>>) target(%arg8 : memref<128xi32, #tpu.memory_space<vmem>>) target_semaphore(%run_scoped3A_64 : memref<!tpu.dma_semaphore, #tpu.memory_space<semaphore_mem>>)
      %dma_wait3A_67 = tpu.memref_slice %arg3[%add3A_4] : memref<16384xi32, #tpu.memory_space<hbm>> -> memref<128xi32, #tpu.memory_space<hbm>>
      %dma_wait3A_68 = tpu.memref_slice %arg3[%add3A_4] : memref<16384xi32, #tpu.memory_space<hbm>> -> memref<128xi32, #tpu.memory_space<hbm>>
      tpu.wait_dma2 semaphore(%run_scoped3A_64 : memref<!tpu.dma_semaphore, #tpu.memory_space<semaphore_mem>>) src(%dma_wait3A_68 : memref<128xi32, #tpu.memory_space<hbm>>) dst(%arg8 : memref<128xi32, #tpu.memory_space<vmem>>)
      tpu.yield
    }) : () -> ()
    %dma_start3A = arith.constant 0 : i32
    %dma_start3A_5 = arith.constant 0 : i32
    %dma_start3A_6 = tpu.memref_slice %arg4[%dma_start3A, %dma_start3A_5] : memref<2x256xf32, #tpu.memory_space<hbm>> -> memref<2x256xf32, #tpu.memory_space<hbm>>
    tpu.enqueue_indirect_dma source(%dma_start3A_6 : memref<2x256xf32, #tpu.memory_space<hbm>>) target(%arg9 : memref<128x256xf32, #tpu.memory_space<vmem>>) offsets(%arg7 : memref<128xi32, #tpu.memory_space<vmem>>) semaphore(%arg11 : memref<!tpu.dma_semaphore, #tpu.memory_space<semaphore_mem>>)
    %dma_wait3A = arith.constant 0 : i32
    %dma_wait3A_7 = arith.constant 0 : i32
    %dma_wait3A_8 = tpu.memref_slice %arg4[%dma_wait3A, %dma_wait3A_7] : memref<2x256xf32, #tpu.memory_space<hbm>> -> memref<2x256xf32, #tpu.memory_space<hbm>>
    tpu.wait_indirect_dma semaphore(%arg11 : memref<!tpu.dma_semaphore, #tpu.memory_space<semaphore_mem>>) src(%dma_wait3A_8 : memref<2x256xf32, #tpu.memory_space<hbm>>) dst(%arg9 : memref<128x256xf32, #tpu.memory_space<vmem>>)
    %dma_start3A_9 = arith.constant 0 : i32
    %dma_start3A_10 = arith.constant 0 : i32
    %dma_start3A_11 = tpu.memref_slice %arg5[%dma_start3A_9, %dma_start3A_10] : memref<7x256xf32, #tpu.memory_space<hbm>> -> memref<7x256xf32, #tpu.memory_space<hbm>>
    tpu.enqueue_indirect_dma source(%dma_start3A_11 : memref<7x256xf32, #tpu.memory_space<hbm>>) target(%arg10 : memref<128x256xf32, #tpu.memory_space<vmem>>) offsets(%arg8 : memref<128xi32, #tpu.memory_space<vmem>>) semaphore(%arg12 : memref<!tpu.dma_semaphore, #tpu.memory_space<semaphore_mem>>)
    %dma_wait3A_12 = arith.constant 0 : i32
    %dma_wait3A_13 = arith.constant 0 : i32
    %dma_wait3A_14 = tpu.memref_slice %arg5[%dma_wait3A_12, %dma_wait3A_13] : memref<7x256xf32, #tpu.memory_space<hbm>> -> memref<7x256xf32, #tpu.memory_space<hbm>>
    tpu.wait_indirect_dma semaphore(%arg12 : memref<!tpu.dma_semaphore, #tpu.memory_space<semaphore_mem>>) src(%dma_wait3A_14 : memref<7x256xf32, #tpu.memory_space<hbm>>) dst(%arg10 : memref<128x256xf32, #tpu.memory_space<vmem>>)
    %run_scoped3A = arith.constant 1 : i32
    "tpu.region"() ({
      %run_scoped3A_64 = tpu.sem_alloc : memref<!tpu.dma_semaphore, #tpu.memory_space<semaphore_mem>>
      %dma_start3A_65 = arith.constant 0 : i32
      %dma_start3A_66 = tpu.memref_slice %arg6[%add3A_4, %run_scoped3A, %dma_start3A_65] : memref<16384x4x256xf32, #tpu.memory_space<hbm>> -> memref<128x1x256xf32, #tpu.memory_space<hbm>>
      %dma_start3A_67 = tpu.memref_squeeze %dma_start3A_66 : memref<128x1x256xf32, #tpu.memory_space<hbm>> -> memref<128x256xf32, #tpu.memory_space<hbm>>
      %dma_start3A_68 = arith.constant 0 : i32
      %dma_start3A_69 = tpu.memref_slice %arg6[%add3A_4, %run_scoped3A, %dma_start3A_68] : memref<16384x4x256xf32, #tpu.memory_space<hbm>> -> memref<128x1x256xf32, #tpu.memory_space<hbm>>
      %dma_start3A_70 = tpu.memref_squeeze %dma_start3A_69 : memref<128x1x256xf32, #tpu.memory_space<hbm>> -> memref<128x256xf32, #tpu.memory_space<hbm>>
      tpu.enqueue_dma source(%arg9 : memref<128x256xf32, #tpu.memory_space<vmem>>) target(%dma_start3A_70 : memref<128x256xf32, #tpu.memory_space<hbm>>) target_semaphore(%run_scoped3A_64 : memref<!tpu.dma_semaphore, #tpu.memory_space<semaphore_mem>>)
      %dma_wait3A_71 = arith.constant 0 : i32
      %dma_wait3A_72 = tpu.memref_slice %arg6[%add3A_4, %run_scoped3A, %dma_wait3A_71] : memref<16384x4x256xf32, #tpu.memory_space<hbm>> -> memref<128x1x256xf32, #tpu.memory_space<hbm>>
      %dma_wait3A_73 = tpu.memref_squeeze %dma_wait3A_72 : memref<128x1x256xf32, #tpu.memory_space<hbm>> -> memref<128x256xf32, #tpu.memory_space<hbm>>
      %dma_wait3A_74 = arith.constant 0 : i32
      %dma_wait3A_75 = tpu.memref_slice %arg6[%add3A_4, %run_scoped3A, %dma_wait3A_74] : memref<16384x4x256xf32, #tpu.memory_space<hbm>> -> memref<128x1x256xf32, #tpu.memory_space<hbm>>
      %dma_wait3A_76 = tpu.memref_squeeze %dma_wait3A_75 : memref<128x1x256xf32, #tpu.memory_space<hbm>> -> memref<128x256xf32, #tpu.memory_space<hbm>>
      tpu.wait_dma2 semaphore(%run_scoped3A_64 : memref<!tpu.dma_semaphore, #tpu.memory_space<semaphore_mem>>) src(%arg9 : memref<128x256xf32, #tpu.memory_space<vmem>>) dst(%dma_wait3A_76 : memref<128x256xf32, #tpu.memory_space<hbm>>)
      tpu.yield
    }) : () -> ()
    %run_scoped3A_15 = arith.constant 2 : i32
    "tpu.region"() ({
      %run_scoped3A_64 = tpu.sem_alloc : memref<!tpu.dma_semaphore, #tpu.memory_space<semaphore_mem>>
      %dma_start3A_65 = arith.constant 0 : i32
      %dma_start3A_66 = tpu.memref_slice %arg6[%add3A_4, %run_scoped3A_15, %dma_start3A_65] : memref<16384x4x256xf32, #tpu.memory_space<hbm>> -> memref<128x1x256xf32, #tpu.memory_space<hbm>>
      %dma_start3A_67 = tpu.memref_squeeze %dma_start3A_66 : memref<128x1x256xf32, #tpu.memory_space<hbm>> -> memref<128x256xf32, #tpu.memory_space<hbm>>
      %dma_start3A_68 = arith.constant 0 : i32
      %dma_start3A_69 = tpu.memref_slice %arg6[%add3A_4, %run_scoped3A_15, %dma_start3A_68] : memref<16384x4x256xf32, #tpu.memory_space<hbm>> -> memref<128x1x256xf32, #tpu.memory_space<hbm>>
      %dma_start3A_70 = tpu.memref_squeeze %dma_start3A_69 : memref<128x1x256xf32, #tpu.memory_space<hbm>> -> memref<128x256xf32, #tpu.memory_space<hbm>>
      tpu.enqueue_dma source(%arg10 : memref<128x256xf32, #tpu.memory_space<vmem>>) target(%dma_start3A_70 : memref<128x256xf32, #tpu.memory_space<hbm>>) target_semaphore(%run_scoped3A_64 : memref<!tpu.dma_semaphore, #tpu.memory_space<semaphore_mem>>)
      %dma_wait3A_71 = arith.constant 0 : i32
      %dma_wait3A_72 = tpu.memref_slice %arg6[%add3A_4, %run_scoped3A_15, %dma_wait3A_71] : memref<16384x4x256xf32, #tpu.memory_space<hbm>> -> memref<128x1x256xf32, #tpu.memory_space<hbm>>
      %dma_wait3A_73 = tpu.memref_squeeze %dma_wait3A_72 : memref<128x1x256xf32, #tpu.memory_space<hbm>> -> memref<128x256xf32, #tpu.memory_space<hbm>>
      %dma_wait3A_74 = arith.constant 0 : i32
      %dma_wait3A_75 = tpu.memref_slice %arg6[%add3A_4, %run_scoped3A_15, %dma_wait3A_74] : memref<16384x4x256xf32, #tpu.memory_space<hbm>> -> memref<128x1x256xf32, #tpu.memory_space<hbm>>
      %dma_wait3A_76 = tpu.memref_squeeze %dma_wait3A_75 : memref<128x1x256xf32, #tpu.memory_space<hbm>> -> memref<128x256xf32, #tpu.memory_space<hbm>>
      tpu.wait_dma2 semaphore(%run_scoped3A_64 : memref<!tpu.dma_semaphore, #tpu.memory_space<semaphore_mem>>) src(%arg10 : memref<128x256xf32, #tpu.memory_space<vmem>>) dst(%dma_wait3A_76 : memref<128x256xf32, #tpu.memory_space<hbm>>)
      tpu.yield
    }) : () -> ()
    %add3A_16 = arith.constant 128 : i32
    %add3A_17 = arith.addi %mul3A_2, %add3A_16 : i32
    "tpu.region"() ({
      %run_scoped3A_64 = tpu.sem_alloc : memref<!tpu.dma_semaphore, #tpu.memory_space<semaphore_mem>>
      %dma_start3A_65 = tpu.memref_slice %arg2[%add3A_17] : memref<16384xi32, #tpu.memory_space<hbm>> -> memref<128xi32, #tpu.memory_space<hbm>>
      %dma_start3A_66 = tpu.memref_slice %arg2[%add3A_17] : memref<16384xi32, #tpu.memory_space<hbm>> -> memref<128xi32, #tpu.memory_space<hbm>>
      tpu.enqueue_dma source(%dma_start3A_66 : memref<128xi32, #tpu.memory_space<hbm>>) target(%arg7 : memref<128xi32, #tpu.memory_space<vmem>>) target_semaphore(%run_scoped3A_64 : memref<!tpu.dma_semaphore, #tpu.memory_space<semaphore_mem>>)
      %dma_wait3A_67 = tpu.memref_slice %arg2[%add3A_17] : memref<16384xi32, #tpu.memory_space<hbm>> -> memref<128xi32, #tpu.memory_space<hbm>>
      %dma_wait3A_68 = tpu.memref_slice %arg2[%add3A_17] : memref<16384xi32, #tpu.memory_space<hbm>> -> memref<128xi32, #tpu.memory_space<hbm>>
      tpu.wait_dma2 semaphore(%run_scoped3A_64 : memref<!tpu.dma_semaphore, #tpu.memory_space<semaphore_mem>>) src(%dma_wait3A_68 : memref<128xi32, #tpu.memory_space<hbm>>) dst(%arg7 : memref<128xi32, #tpu.memory_space<vmem>>)
      tpu.yield
    }) : () -> ()
    "tpu.region"() ({
      %run_scoped3A_64 = tpu.sem_alloc : memref<!tpu.dma_semaphore, #tpu.memory_space<semaphore_mem>>
      %dma_start3A_65 = tpu.memref_slice %arg3[%add3A_17] : memref<16384xi32, #tpu.memory_space<hbm>> -> memref<128xi32, #tpu.memory_space<hbm>>
      %dma_start3A_66 = tpu.memref_slice %arg3[%add3A_17] : memref<16384xi32, #tpu.memory_space<hbm>> -> memref<128xi32, #tpu.memory_space<hbm>>
      tpu.enqueue_dma source(%dma_start3A_66 : memref<128xi32, #tpu.memory_space<hbm>>) target(%arg8 : memref<128xi32, #tpu.memory_space<vmem>>) target_semaphore(%run_scoped3A_64 : memref<!tpu.dma_semaphore, #tpu.memory_space<semaphore_mem>>)
      %dma_wait3A_67 = tpu.memref_slice %arg3[%add3A_17] : memref<16384xi32, #tpu.memory_space<hbm>> -> memref<128xi32, #tpu.memory_space<hbm>>
      %dma_wait3A_68 = tpu.memref_slice %arg3[%add3A_17] : memref<16384xi32, #tpu.memory_space<hbm>> -> memref<128xi32, #tpu.memory_space<hbm>>
      tpu.wait_dma2 semaphore(%run_scoped3A_64 : memref<!tpu.dma_semaphore, #tpu.memory_space<semaphore_mem>>) src(%dma_wait3A_68 : memref<128xi32, #tpu.memory_space<hbm>>) dst(%arg8 : memref<128xi32, #tpu.memory_space<vmem>>)
      tpu.yield
    }) : () -> ()
    %dma_start3A_18 = arith.constant 0 : i32
    %dma_start3A_19 = arith.constant 0 : i32
    %dma_start3A_20 = tpu.memref_slice %arg4[%dma_start3A_18, %dma_start3A_19] : memref<2x256xf32, #tpu.memory_space<hbm>> -> memref<2x256xf32, #tpu.memory_space<hbm>>
    tpu.enqueue_indirect_dma source(%dma_start3A_20 : memref<2x256xf32, #tpu.memory_space<hbm>>) target(%arg9 : memref<128x256xf32, #tpu.memory_space<vmem>>) offsets(%arg7 : memref<128xi32, #tpu.memory_space<vmem>>) semaphore(%arg11 : memref<!tpu.dma_semaphore, #tpu.memory_space<semaphore_mem>>)
    %dma_wait3A_21 = arith.constant 0 : i32
    %dma_wait3A_22 = arith.constant 0 : i32
    %dma_wait3A_23 = tpu.memref_slice %arg4[%dma_wait3A_21, %dma_wait3A_22] : memref<2x256xf32, #tpu.memory_space<hbm>> -> memref<2x256xf32, #tpu.memory_space<hbm>>
    tpu.wait_indirect_dma semaphore(%arg11 : memref<!tpu.dma_semaphore, #tpu.memory_space<semaphore_mem>>) src(%dma_wait3A_23 : memref<2x256xf32, #tpu.memory_space<hbm>>) dst(%arg9 : memref<128x256xf32, #tpu.memory_space<vmem>>)
    %dma_start3A_24 = arith.constant 0 : i32
    %dma_start3A_25 = arith.constant 0 : i32
    %dma_start3A_26 = tpu.memref_slice %arg5[%dma_start3A_24, %dma_start3A_25] : memref<7x256xf32, #tpu.memory_space<hbm>> -> memref<7x256xf32, #tpu.memory_space<hbm>>
    tpu.enqueue_indirect_dma source(%dma_start3A_26 : memref<7x256xf32, #tpu.memory_space<hbm>>) target(%arg10 : memref<128x256xf32, #tpu.memory_space<vmem>>) offsets(%arg8 : memref<128xi32, #tpu.memory_space<vmem>>) semaphore(%arg12 : memref<!tpu.dma_semaphore, #tpu.memory_space<semaphore_mem>>)
    %dma_wait3A_27 = arith.constant 0 : i32
    %dma_wait3A_28 = arith.constant 0 : i32
    %dma_wait3A_29 = tpu.memref_slice %arg5[%dma_wait3A_27, %dma_wait3A_28] : memref<7x256xf32, #tpu.memory_space<hbm>> -> memref<7x256xf32, #tpu.memory_space<hbm>>
    tpu.wait_indirect_dma semaphore(%arg12 : memref<!tpu.dma_semaphore, #tpu.memory_space<semaphore_mem>>) src(%dma_wait3A_29 : memref<7x256xf32, #tpu.memory_space<hbm>>) dst(%arg10 : memref<128x256xf32, #tpu.memory_space<vmem>>)
    %run_scoped3A_30 = arith.constant 1 : i32
    "tpu.region"() ({
      %run_scoped3A_64 = tpu.sem_alloc : memref<!tpu.dma_semaphore, #tpu.memory_space<semaphore_mem>>
      %dma_start3A_65 = arith.constant 0 : i32
      %dma_start3A_66 = tpu.memref_slice %arg6[%add3A_17, %run_scoped3A_30, %dma_start3A_65] : memref<16384x4x256xf32, #tpu.memory_space<hbm>> -> memref<128x1x256xf32, #tpu.memory_space<hbm>>
      %dma_start3A_67 = tpu.memref_squeeze %dma_start3A_66 : memref<128x1x256xf32, #tpu.memory_space<hbm>> -> memref<128x256xf32, #tpu.memory_space<hbm>>
      %dma_start3A_68 = arith.constant 0 : i32
      %dma_start3A_69 = tpu.memref_slice %arg6[%add3A_17, %run_scoped3A_30, %dma_start3A_68] : memref<16384x4x256xf32, #tpu.memory_space<hbm>> -> memref<128x1x256xf32, #tpu.memory_space<hbm>>
      %dma_start3A_70 = tpu.memref_squeeze %dma_start3A_69 : memref<128x1x256xf32, #tpu.memory_space<hbm>> -> memref<128x256xf32, #tpu.memory_space<hbm>>
      tpu.enqueue_dma source(%arg9 : memref<128x256xf32, #tpu.memory_space<vmem>>) target(%dma_start3A_70 : memref<128x256xf32, #tpu.memory_space<hbm>>) target_semaphore(%run_scoped3A_64 : memref<!tpu.dma_semaphore, #tpu.memory_space<semaphore_mem>>)
      %dma_wait3A_71 = arith.constant 0 : i32
      %dma_wait3A_72 = tpu.memref_slice %arg6[%add3A_17, %run_scoped3A_30, %dma_wait3A_71] : memref<16384x4x256xf32, #tpu.memory_space<hbm>> -> memref<128x1x256xf32, #tpu.memory_space<hbm>>
      %dma_wait3A_73 = tpu.memref_squeeze %dma_wait3A_72 : memref<128x1x256xf32, #tpu.memory_space<hbm>> -> memref<128x256xf32, #tpu.memory_space<hbm>>
      %dma_wait3A_74 = arith.constant 0 : i32
      %dma_wait3A_75 = tpu.memref_slice %arg6[%add3A_17, %run_scoped3A_30, %dma_wait3A_74] : memref<16384x4x256xf32, #tpu.memory_space<hbm>> -> memref<128x1x256xf32, #tpu.memory_space<hbm>>
      %dma_wait3A_76 = tpu.memref_squeeze %dma_wait3A_75 : memref<128x1x256xf32, #tpu.memory_space<hbm>> -> memref<128x256xf32, #tpu.memory_space<hbm>>
      tpu.wait_dma2 semaphore(%run_scoped3A_64 : memref<!tpu.dma_semaphore, #tpu.memory_space<semaphore_mem>>) src(%arg9 : memref<128x256xf32, #tpu.memory_space<vmem>>) dst(%dma_wait3A_76 : memref<128x256xf32, #tpu.memory_space<hbm>>)
      tpu.yield
    }) : () -> ()
    %run_scoped3A_31 = arith.constant 2 : i32
    "tpu.region"() ({
      %run_scoped3A_64 = tpu.sem_alloc : memref<!tpu.dma_semaphore, #tpu.memory_space<semaphore_mem>>
      %dma_start3A_65 = arith.constant 0 : i32
      %dma_start3A_66 = tpu.memref_slice %arg6[%add3A_17, %run_scoped3A_31, %dma_start3A_65] : memref<16384x4x256xf32, #tpu.memory_space<hbm>> -> memref<128x1x256xf32, #tpu.memory_space<hbm>>
      %dma_start3A_67 = tpu.memref_squeeze %dma_start3A_66 : memref<128x1x256xf32, #tpu.memory_space<hbm>> -> memref<128x256xf32, #tpu.memory_space<hbm>>
      %dma_start3A_68 = arith.constant 0 : i32
      %dma_start3A_69 = tpu.memref_slice %arg6[%add3A_17, %run_scoped3A_31, %dma_start3A_68] : memref<16384x4x256xf32, #tpu.memory_space<hbm>> -> memref<128x1x256xf32, #tpu.memory_space<hbm>>
      %dma_start3A_70 = tpu.memref_squeeze %dma_start3A_69 : memref<128x1x256xf32, #tpu.memory_space<hbm>> -> memref<128x256xf32, #tpu.memory_space<hbm>>
      tpu.enqueue_dma source(%arg10 : memref<128x256xf32, #tpu.memory_space<vmem>>) target(%dma_start3A_70 : memref<128x256xf32, #tpu.memory_space<hbm>>) target_semaphore(%run_scoped3A_64 : memref<!tpu.dma_semaphore, #tpu.memory_space<semaphore_mem>>)
      %dma_wait3A_71 = arith.constant 0 : i32
      %dma_wait3A_72 = tpu.memref_slice %arg6[%add3A_17, %run_scoped3A_31, %dma_wait3A_71] : memref<16384x4x256xf32, #tpu.memory_space<hbm>> -> memref<128x1x256xf32, #tpu.memory_space<hbm>>
      %dma_wait3A_73 = tpu.memref_squeeze %dma_wait3A_72 : memref<128x1x256xf32, #tpu.memory_space<hbm>> -> memref<128x256xf32, #tpu.memory_space<hbm>>
      %dma_wait3A_74 = arith.constant 0 : i32
      %dma_wait3A_75 = tpu.memref_slice %arg6[%add3A_17, %run_scoped3A_31, %dma_wait3A_74] : memref<16384x4x256xf32, #tpu.memory_space<hbm>> -> memref<128x1x256xf32, #tpu.memory_space<hbm>>
      %dma_wait3A_76 = tpu.memref_squeeze %dma_wait3A_75 : memref<128x1x256xf32, #tpu.memory_space<hbm>> -> memref<128x256xf32, #tpu.memory_space<hbm>>
      tpu.wait_dma2 semaphore(%run_scoped3A_64 : memref<!tpu.dma_semaphore, #tpu.memory_space<semaphore_mem>>) src(%arg10 : memref<128x256xf32, #tpu.memory_space<vmem>>) dst(%dma_wait3A_76 : memref<128x256xf32, #tpu.memory_space<hbm>>)
      tpu.yield
    }) : () -> ()
    %add3A_32 = arith.constant 256 : i32
    %add3A_33 = arith.addi %mul3A_2, %add3A_32 : i32
    "tpu.region"() ({
      %run_scoped3A_64 = tpu.sem_alloc : memref<!tpu.dma_semaphore, #tpu.memory_space<semaphore_mem>>
      %dma_start3A_65 = tpu.memref_slice %arg2[%add3A_33] : memref<16384xi32, #tpu.memory_space<hbm>> -> memref<128xi32, #tpu.memory_space<hbm>>
      %dma_start3A_66 = tpu.memref_slice %arg2[%add3A_33] : memref<16384xi32, #tpu.memory_space<hbm>> -> memref<128xi32, #tpu.memory_space<hbm>>
      tpu.enqueue_dma source(%dma_start3A_66 : memref<128xi32, #tpu.memory_space<hbm>>) target(%arg7 : memref<128xi32, #tpu.memory_space<vmem>>) target_semaphore(%run_scoped3A_64 : memref<!tpu.dma_semaphore, #tpu.memory_space<semaphore_mem>>)
      %dma_wait3A_67 = tpu.memref_slice %arg2[%add3A_33] : memref<16384xi32, #tpu.memory_space<hbm>> -> memref<128xi32, #tpu.memory_space<hbm>>
      %dma_wait3A_68 = tpu.memref_slice %arg2[%add3A_33] : memref<16384xi32, #tpu.memory_space<hbm>> -> memref<128xi32, #tpu.memory_space<hbm>>
      tpu.wait_dma2 semaphore(%run_scoped3A_64 : memref<!tpu.dma_semaphore, #tpu.memory_space<semaphore_mem>>) src(%dma_wait3A_68 : memref<128xi32, #tpu.memory_space<hbm>>) dst(%arg7 : memref<128xi32, #tpu.memory_space<vmem>>)
      tpu.yield
    }) : () -> ()
    "tpu.region"() ({
      %run_scoped3A_64 = tpu.sem_alloc : memref<!tpu.dma_semaphore, #tpu.memory_space<semaphore_mem>>
      %dma_start3A_65 = tpu.memref_slice %arg3[%add3A_33] : memref<16384xi32, #tpu.memory_space<hbm>> -> memref<128xi32, #tpu.memory_space<hbm>>
      %dma_start3A_66 = tpu.memref_slice %arg3[%add3A_33] : memref<16384xi32, #tpu.memory_space<hbm>> -> memref<128xi32, #tpu.memory_space<hbm>>
      tpu.enqueue_dma source(%dma_start3A_66 : memref<128xi32, #tpu.memory_space<hbm>>) target(%arg8 : memref<128xi32, #tpu.memory_space<vmem>>) target_semaphore(%run_scoped3A_64 : memref<!tpu.dma_semaphore, #tpu.memory_space<semaphore_mem>>)
      %dma_wait3A_67 = tpu.memref_slice %arg3[%add3A_33] : memref<16384xi32, #tpu.memory_space<hbm>> -> memref<128xi32, #tpu.memory_space<hbm>>
      %dma_wait3A_68 = tpu.memref_slice %arg3[%add3A_33] : memref<16384xi32, #tpu.memory_space<hbm>> -> memref<128xi32, #tpu.memory_space<hbm>>
      tpu.wait_dma2 semaphore(%run_scoped3A_64 : memref<!tpu.dma_semaphore, #tpu.memory_space<semaphore_mem>>) src(%dma_wait3A_68 : memref<128xi32, #tpu.memory_space<hbm>>) dst(%arg8 : memref<128xi32, #tpu.memory_space<vmem>>)
      tpu.yield
    }) : () -> ()
    %dma_start3A_34 = arith.constant 0 : i32
    %dma_start3A_35 = arith.constant 0 : i32
    %dma_start3A_36 = tpu.memref_slice %arg4[%dma_start3A_34, %dma_start3A_35] : memref<2x256xf32, #tpu.memory_space<hbm>> -> memref<2x256xf32, #tpu.memory_space<hbm>>
    tpu.enqueue_indirect_dma source(%dma_start3A_36 : memref<2x256xf32, #tpu.memory_space<hbm>>) target(%arg9 : memref<128x256xf32, #tpu.memory_space<vmem>>) offsets(%arg7 : memref<128xi32, #tpu.memory_space<vmem>>) semaphore(%arg11 : memref<!tpu.dma_semaphore, #tpu.memory_space<semaphore_mem>>)
    %dma_wait3A_37 = arith.constant 0 : i32
    %dma_wait3A_38 = arith.constant 0 : i32
    %dma_wait3A_39 = tpu.memref_slice %arg4[%dma_wait3A_37, %dma_wait3A_38] : memref<2x256xf32, #tpu.memory_space<hbm>> -> memref<2x256xf32, #tpu.memory_space<hbm>>
    tpu.wait_indirect_dma semaphore(%arg11 : memref<!tpu.dma_semaphore, #tpu.memory_space<semaphore_mem>>) src(%dma_wait3A_39 : memref<2x256xf32, #tpu.memory_space<hbm>>) dst(%arg9 : memref<128x256xf32, #tpu.memory_space<vmem>>)
    %dma_start3A_40 = arith.constant 0 : i32
    %dma_start3A_41 = arith.constant 0 : i32
    %dma_start3A_42 = tpu.memref_slice %arg5[%dma_start3A_40, %dma_start3A_41] : memref<7x256xf32, #tpu.memory_space<hbm>> -> memref<7x256xf32, #tpu.memory_space<hbm>>
    tpu.enqueue_indirect_dma source(%dma_start3A_42 : memref<7x256xf32, #tpu.memory_space<hbm>>) target(%arg10 : memref<128x256xf32, #tpu.memory_space<vmem>>) offsets(%arg8 : memref<128xi32, #tpu.memory_space<vmem>>) semaphore(%arg12 : memref<!tpu.dma_semaphore, #tpu.memory_space<semaphore_mem>>)
    %dma_wait3A_43 = arith.constant 0 : i32
    %dma_wait3A_44 = arith.constant 0 : i32
    %dma_wait3A_45 = tpu.memref_slice %arg5[%dma_wait3A_43, %dma_wait3A_44] : memref<7x256xf32, #tpu.memory_space<hbm>> -> memref<7x256xf32, #tpu.memory_space<hbm>>
    tpu.wait_indirect_dma semaphore(%arg12 : memref<!tpu.dma_semaphore, #tpu.memory_space<semaphore_mem>>) src(%dma_wait3A_45 : memref<7x256xf32, #tpu.memory_space<hbm>>) dst(%arg10 : memref<128x256xf32, #tpu.memory_space<vmem>>)
    %run_scoped3A_46 = arith.constant 1 : i32
    "tpu.region"() ({
      %run_scoped3A_64 = tpu.sem_alloc : memref<!tpu.dma_semaphore, #tpu.memory_space<semaphore_mem>>
      %dma_start3A_65 = arith.constant 0 : i32
      %dma_start3A_66 = tpu.memref_slice %arg6[%add3A_33, %run_scoped3A_46, %dma_start3A_65] : memref<16384x4x256xf32, #tpu.memory_space<hbm>> -> memref<128x1x256xf32, #tpu.memory_space<hbm>>
      %dma_start3A_67 = tpu.memref_squeeze %dma_start3A_66 : memref<128x1x256xf32, #tpu.memory_space<hbm>> -> memref<128x256xf32, #tpu.memory_space<hbm>>
      %dma_start3A_68 = arith.constant 0 : i32
      %dma_start3A_69 = tpu.memref_slice %arg6[%add3A_33, %run_scoped3A_46, %dma_start3A_68] : memref<16384x4x256xf32, #tpu.memory_space<hbm>> -> memref<128x1x256xf32, #tpu.memory_space<hbm>>
      %dma_start3A_70 = tpu.memref_squeeze %dma_start3A_69 : memref<128x1x256xf32, #tpu.memory_space<hbm>> -> memref<128x256xf32, #tpu.memory_space<hbm>>
      tpu.enqueue_dma source(%arg9 : memref<128x256xf32, #tpu.memory_space<vmem>>) target(%dma_start3A_70 : memref<128x256xf32, #tpu.memory_space<hbm>>) target_semaphore(%run_scoped3A_64 : memref<!tpu.dma_semaphore, #tpu.memory_space<semaphore_mem>>)
      %dma_wait3A_71 = arith.constant 0 : i32
      %dma_wait3A_72 = tpu.memref_slice %arg6[%add3A_33, %run_scoped3A_46, %dma_wait3A_71] : memref<16384x4x256xf32, #tpu.memory_space<hbm>> -> memref<128x1x256xf32, #tpu.memory_space<hbm>>
      %dma_wait3A_73 = tpu.memref_squeeze %dma_wait3A_72 : memref<128x1x256xf32, #tpu.memory_space<hbm>> -> memref<128x256xf32, #tpu.memory_space<hbm>>
      %dma_wait3A_74 = arith.constant 0 : i32
      %dma_wait3A_75 = tpu.memref_slice %arg6[%add3A_33, %run_scoped3A_46, %dma_wait3A_74] : memref<16384x4x256xf32, #tpu.memory_space<hbm>> -> memref<128x1x256xf32, #tpu.memory_space<hbm>>
      %dma_wait3A_76 = tpu.memref_squeeze %dma_wait3A_75 : memref<128x1x256xf32, #tpu.memory_space<hbm>> -> memref<128x256xf32, #tpu.memory_space<hbm>>
      tpu.wait_dma2 semaphore(%run_scoped3A_64 : memref<!tpu.dma_semaphore, #tpu.memory_space<semaphore_mem>>) src(%arg9 : memref<128x256xf32, #tpu.memory_space<vmem>>) dst(%dma_wait3A_76 : memref<128x256xf32, #tpu.memory_space<hbm>>)
      tpu.yield
    }) : () -> ()
    %run_scoped3A_47 = arith.constant 2 : i32
    "tpu.region"() ({
      %run_scoped3A_64 = tpu.sem_alloc : memref<!tpu.dma_semaphore, #tpu.memory_space<semaphore_mem>>
      %dma_start3A_65 = arith.constant 0 : i32
      %dma_start3A_66 = tpu.memref_slice %arg6[%add3A_33, %run_scoped3A_47, %dma_start3A_65] : memref<16384x4x256xf32, #tpu.memory_space<hbm>> -> memref<128x1x256xf32, #tpu.memory_space<hbm>>
      %dma_start3A_67 = tpu.memref_squeeze %dma_start3A_66 : memref<128x1x256xf32, #tpu.memory_space<hbm>> -> memref<128x256xf32, #tpu.memory_space<hbm>>
      %dma_start3A_68 = arith.constant 0 : i32
      %dma_start3A_69 = tpu.memref_slice %arg6[%add3A_33, %run_scoped3A_47, %dma_start3A_68] : memref<16384x4x256xf32, #tpu.memory_space<hbm>> -> memref<128x1x256xf32, #tpu.memory_space<hbm>>
      %dma_start3A_70 = tpu.memref_squeeze %dma_start3A_69 : memref<128x1x256xf32, #tpu.memory_space<hbm>> -> memref<128x256xf32, #tpu.memory_space<hbm>>
      tpu.enqueue_dma source(%arg10 : memref<128x256xf32, #tpu.memory_space<vmem>>) target(%dma_start3A_70 : memref<128x256xf32, #tpu.memory_space<hbm>>) target_semaphore(%run_scoped3A_64 : memref<!tpu.dma_semaphore, #tpu.memory_space<semaphore_mem>>)
      %dma_wait3A_71 = arith.constant 0 : i32
      %dma_wait3A_72 = tpu.memref_slice %arg6[%add3A_33, %run_scoped3A_47, %dma_wait3A_71] : memref<16384x4x256xf32, #tpu.memory_space<hbm>> -> memref<128x1x256xf32, #tpu.memory_space<hbm>>
      %dma_wait3A_73 = tpu.memref_squeeze %dma_wait3A_72 : memref<128x1x256xf32, #tpu.memory_space<hbm>> -> memref<128x256xf32, #tpu.memory_space<hbm>>
      %dma_wait3A_74 = arith.constant 0 : i32
      %dma_wait3A_75 = tpu.memref_slice %arg6[%add3A_33, %run_scoped3A_47, %dma_wait3A_74] : memref<16384x4x256xf32, #tpu.memory_space<hbm>> -> memref<128x1x256xf32, #tpu.memory_space<hbm>>
      %dma_wait3A_76 = tpu.memref_squeeze %dma_wait3A_75 : memref<128x1x256xf32, #tpu.memory_space<hbm>> -> memref<128x256xf32, #tpu.memory_space<hbm>>
      tpu.wait_dma2 semaphore(%run_scoped3A_64 : memref<!tpu.dma_semaphore, #tpu.memory_space<semaphore_mem>>) src(%arg10 : memref<128x256xf32, #tpu.memory_space<vmem>>) dst(%dma_wait3A_76 : memref<128x256xf32, #tpu.memory_space<hbm>>)
      tpu.yield
    }) : () -> ()
    %add3A_48 = arith.constant 384 : i32
    %add3A_49 = arith.addi %mul3A_2, %add3A_48 : i32
    "tpu.region"() ({
      %run_scoped3A_64 = tpu.sem_alloc : memref<!tpu.dma_semaphore, #tpu.memory_space<semaphore_mem>>
      %dma_start3A_65 = tpu.memref_slice %arg2[%add3A_49] : memref<16384xi32, #tpu.memory_space<hbm>> -> memref<128xi32, #tpu.memory_space<hbm>>
      %dma_start3A_66 = tpu.memref_slice %arg2[%add3A_49] : memref<16384xi32, #tpu.memory_space<hbm>> -> memref<128xi32, #tpu.memory_space<hbm>>
      tpu.enqueue_dma source(%dma_start3A_66 : memref<128xi32, #tpu.memory_space<hbm>>) target(%arg7 : memref<128xi32, #tpu.memory_space<vmem>>) target_semaphore(%run_scoped3A_64 : memref<!tpu.dma_semaphore, #tpu.memory_space<semaphore_mem>>)
      %dma_wait3A_67 = tpu.memref_slice %arg2[%add3A_49] : memref<16384xi32, #tpu.memory_space<hbm>> -> memref<128xi32, #tpu.memory_space<hbm>>
      %dma_wait3A_68 = tpu.memref_slice %arg2[%add3A_49] : memref<16384xi32, #tpu.memory_space<hbm>> -> memref<128xi32, #tpu.memory_space<hbm>>
      tpu.wait_dma2 semaphore(%run_scoped3A_64 : memref<!tpu.dma_semaphore, #tpu.memory_space<semaphore_mem>>) src(%dma_wait3A_68 : memref<128xi32, #tpu.memory_space<hbm>>) dst(%arg7 : memref<128xi32, #tpu.memory_space<vmem>>)
      tpu.yield
    }) : () -> ()
    "tpu.region"() ({
      %run_scoped3A_64 = tpu.sem_alloc : memref<!tpu.dma_semaphore, #tpu.memory_space<semaphore_mem>>
      %dma_start3A_65 = tpu.memref_slice %arg3[%add3A_49] : memref<16384xi32, #tpu.memory_space<hbm>> -> memref<128xi32, #tpu.memory_space<hbm>>
      %dma_start3A_66 = tpu.memref_slice %arg3[%add3A_49] : memref<16384xi32, #tpu.memory_space<hbm>> -> memref<128xi32, #tpu.memory_space<hbm>>
      tpu.enqueue_dma source(%dma_start3A_66 : memref<128xi32, #tpu.memory_space<hbm>>) target(%arg8 : memref<128xi32, #tpu.memory_space<vmem>>) target_semaphore(%run_scoped3A_64 : memref<!tpu.dma_semaphore, #tpu.memory_space<semaphore_mem>>)
      %dma_wait3A_67 = tpu.memref_slice %arg3[%add3A_49] : memref<16384xi32, #tpu.memory_space<hbm>> -> memref<128xi32, #tpu.memory_space<hbm>>
      %dma_wait3A_68 = tpu.memref_slice %arg3[%add3A_49] : memref<16384xi32, #tpu.memory_space<hbm>> -> memref<128xi32, #tpu.memory_space<hbm>>
      tpu.wait_dma2 semaphore(%run_scoped3A_64 : memref<!tpu.dma_semaphore, #tpu.memory_space<semaphore_mem>>) src(%dma_wait3A_68 : memref<128xi32, #tpu.memory_space<hbm>>) dst(%arg8 : memref<128xi32, #tpu.memory_space<vmem>>)
      tpu.yield
    }) : () -> ()
    %dma_start3A_50 = arith.constant 0 : i32
    %dma_start3A_51 = arith.constant 0 : i32
    %dma_start3A_52 = tpu.memref_slice %arg4[%dma_start3A_50, %dma_start3A_51] : memref<2x256xf32, #tpu.memory_space<hbm>> -> memref<2x256xf32, #tpu.memory_space<hbm>>
    tpu.enqueue_indirect_dma source(%dma_start3A_52 : memref<2x256xf32, #tpu.memory_space<hbm>>) target(%arg9 : memref<128x256xf32, #tpu.memory_space<vmem>>) offsets(%arg7 : memref<128xi32, #tpu.memory_space<vmem>>) semaphore(%arg11 : memref<!tpu.dma_semaphore, #tpu.memory_space<semaphore_mem>>)
    %dma_wait3A_53 = arith.constant 0 : i32
    %dma_wait3A_54 = arith.constant 0 : i32
    %dma_wait3A_55 = tpu.memref_slice %arg4[%dma_wait3A_53, %dma_wait3A_54] : memref<2x256xf32, #tpu.memory_space<hbm>> -> memref<2x256xf32, #tpu.memory_space<hbm>>
    tpu.wait_indirect_dma semaphore(%arg11 : memref<!tpu.dma_semaphore, #tpu.memory_space<semaphore_mem>>) src(%dma_wait3A_55 : memref<2x256xf32, #tpu.memory_space<hbm>>) dst(%arg9 : memref<128x256xf32, #tpu.memory_space<vmem>>)
    %dma_start3A_56 = arith.constant 0 : i32
    %dma_start3A_57 = arith.constant 0 : i32
    %dma_start3A_58 = tpu.memref_slice %arg5[%dma_start3A_56, %dma_start3A_57] : memref<7x256xf32, #tpu.memory_space<hbm>> -> memref<7x256xf32, #tpu.memory_space<hbm>>
    tpu.enqueue_indirect_dma source(%dma_start3A_58 : memref<7x256xf32, #tpu.memory_space<hbm>>) target(%arg10 : memref<128x256xf32, #tpu.memory_space<vmem>>) offsets(%arg8 : memref<128xi32, #tpu.memory_space<vmem>>) semaphore(%arg12 : memref<!tpu.dma_semaphore, #tpu.memory_space<semaphore_mem>>)
    %dma_wait3A_59 = arith.constant 0 : i32
    %dma_wait3A_60 = arith.constant 0 : i32
    %dma_wait3A_61 = tpu.memref_slice %arg5[%dma_wait3A_59, %dma_wait3A_60] : memref<7x256xf32, #tpu.memory_space<hbm>> -> memref<7x256xf32, #tpu.memory_space<hbm>>
    tpu.wait_indirect_dma semaphore(%arg12 : memref<!tpu.dma_semaphore, #tpu.memory_space<semaphore_mem>>) src(%dma_wait3A_61 : memref<7x256xf32, #tpu.memory_space<hbm>>) dst(%arg10 : memref<128x256xf32, #tpu.memory_space<vmem>>)
    %run_scoped3A_62 = arith.constant 1 : i32
    "tpu.region"() ({
      %run_scoped3A_64 = tpu.sem_alloc : memref<!tpu.dma_semaphore, #tpu.memory_space<semaphore_mem>>
      %dma_start3A_65 = arith.constant 0 : i32
      %dma_start3A_66 = tpu.memref_slice %arg6[%add3A_49, %run_scoped3A_62, %dma_start3A_65] : memref<16384x4x256xf32, #tpu.memory_space<hbm>> -> memref<128x1x256xf32, #tpu.memory_space<hbm>>
      %dma_start3A_67 = tpu.memref_squeeze %dma_start3A_66 : memref<128x1x256xf32, #tpu.memory_space<hbm>> -> memref<128x256xf32, #tpu.memory_space<hbm>>
      %dma_start3A_68 = arith.constant 0 : i32
      %dma_start3A_69 = tpu.memref_slice %arg6[%add3A_49, %run_scoped3A_62, %dma_start3A_68] : memref<16384x4x256xf32, #tpu.memory_space<hbm>> -> memref<128x1x256xf32, #tpu.memory_space<hbm>>
      %dma_start3A_70 = tpu.memref_squeeze %dma_start3A_69 : memref<128x1x256xf32, #tpu.memory_space<hbm>> -> memref<128x256xf32, #tpu.memory_space<hbm>>
      tpu.enqueue_dma source(%arg9 : memref<128x256xf32, #tpu.memory_space<vmem>>) target(%dma_start3A_70 : memref<128x256xf32, #tpu.memory_space<hbm>>) target_semaphore(%run_scoped3A_64 : memref<!tpu.dma_semaphore, #tpu.memory_space<semaphore_mem>>)
      %dma_wait3A_71 = arith.constant 0 : i32
      %dma_wait3A_72 = tpu.memref_slice %arg6[%add3A_49, %run_scoped3A_62, %dma_wait3A_71] : memref<16384x4x256xf32, #tpu.memory_space<hbm>> -> memref<128x1x256xf32, #tpu.memory_space<hbm>>
      %dma_wait3A_73 = tpu.memref_squeeze %dma_wait3A_72 : memref<128x1x256xf32, #tpu.memory_space<hbm>> -> memref<128x256xf32, #tpu.memory_space<hbm>>
      %dma_wait3A_74 = arith.constant 0 : i32
      %dma_wait3A_75 = tpu.memref_slice %arg6[%add3A_49, %run_scoped3A_62, %dma_wait3A_74] : memref<16384x4x256xf32, #tpu.memory_space<hbm>> -> memref<128x1x256xf32, #tpu.memory_space<hbm>>
      %dma_wait3A_76 = tpu.memref_squeeze %dma_wait3A_75 : memref<128x1x256xf32, #tpu.memory_space<hbm>> -> memref<128x256xf32, #tpu.memory_space<hbm>>
      tpu.wait_dma2 semaphore(%run_scoped3A_64 : memref<!tpu.dma_semaphore, #tpu.memory_space<semaphore_mem>>) src(%arg9 : memref<128x256xf32, #tpu.memory_space<vmem>>) dst(%dma_wait3A_76 : memref<128x256xf32, #tpu.memory_space<hbm>>)
      tpu.yield
    }) : () -> ()
    %run_scoped3A_63 = arith.constant 2 : i32
    "tpu.region"() ({
      %run_scoped3A_64 = tpu.sem_alloc : memref<!tpu.dma_semaphore, #tpu.memory_space<semaphore_mem>>
      %dma_start3A_65 = arith.constant 0 : i32
      %dma_start3A_66 = tpu.memref_slice %arg6[%add3A_49, %run_scoped3A_63, %dma_start3A_65] : memref<16384x4x256xf32, #tpu.memory_space<hbm>> -> memref<128x1x256xf32, #tpu.memory_space<hbm>>
      %dma_start3A_67 = tpu.memref_squeeze %dma_start3A_66 : memref<128x1x256xf32, #tpu.memory_space<hbm>> -> memref<128x256xf32, #tpu.memory_space<hbm>>
      %dma_start3A_68 = arith.constant 0 : i32
      %dma_start3A_69 = tpu.memref_slice %arg6[%add3A_49, %run_scoped3A_63, %dma_start3A_68] : memref<16384x4x256xf32, #tpu.memory_space<hbm>> -> memref<128x1x256xf32, #tpu.memory_space<hbm>>
      %dma_start3A_70 = tpu.memref_squeeze %dma_start3A_69 : memref<128x1x256xf32, #tpu.memory_space<hbm>> -> memref<128x256xf32, #tpu.memory_space<hbm>>
      tpu.enqueue_dma source(%arg10 : memref<128x256xf32, #tpu.memory_space<vmem>>) target(%dma_start3A_70 : memref<128x256xf32, #tpu.memory_space<hbm>>) target_semaphore(%run_scoped3A_64 : memref<!tpu.dma_semaphore, #tpu.memory_space<semaphore_mem>>)
      %dma_wait3A_71 = arith.constant 0 : i32
      %dma_wait3A_72 = tpu.memref_slice %arg6[%add3A_49, %run_scoped3A_63, %dma_wait3A_71] : memref<16384x4x256xf32, #tpu.memory_space<hbm>> -> memref<128x1x256xf32, #tpu.memory_space<hbm>>
      %dma_wait3A_73 = tpu.memref_squeeze %dma_wait3A_72 : memref<128x1x256xf32, #tpu.memory_space<hbm>> -> memref<128x256xf32, #tpu.memory_space<hbm>>
      %dma_wait3A_74 = arith.constant 0 : i32
      %dma_wait3A_75 = tpu.memref_slice %arg6[%add3A_49, %run_scoped3A_63, %dma_wait3A_74] : memref<16384x4x256xf32, #tpu.memory_space<hbm>> -> memref<128x1x256xf32, #tpu.memory_space<hbm>>
      %dma_wait3A_76 = tpu.memref_squeeze %dma_wait3A_75 : memref<128x1x256xf32, #tpu.memory_space<hbm>> -> memref<128x256xf32, #tpu.memory_space<hbm>>
      tpu.wait_dma2 semaphore(%run_scoped3A_64 : memref<!tpu.dma_semaphore, #tpu.memory_space<semaphore_mem>>) src(%arg10 : memref<128x256xf32, #tpu.memory_space<vmem>>) dst(%dma_wait3A_76 : memref<128x256xf32, #tpu.memory_space<hbm>>)
      tpu.yield
    }) : () -> ()
    return
  }
}

module attributes {stable_mosaic.version = 14 : i64} {
  func.func @_tc_body(%arg0: i32, %arg1: memref<16384x4x256xf32, #tpu.memory_space<any>>, %arg2: memref<13x2048xf32, #tpu.memory_space<vmem>>, %arg3: memref<1x256xf32, #tpu.memory_space<vmem>>, %arg4: memref<1x256xf32, #tpu.memory_space<vmem>>, %arg5: memref<13x64xf32, #tpu.memory_space<vmem>>, %arg6: memref<1x64xf32, #tpu.memory_space<vmem>>, %arg7: memref<64x128xf32, #tpu.memory_space<vmem>>, %arg8: memref<1x128xf32, #tpu.memory_space<vmem>>, %arg9: memref<128x256xf32, #tpu.memory_space<vmem>>, %arg10: memref<1x256xf32, #tpu.memory_space<vmem>>, %arg11: memref<16384x4x256xf32, #tpu.memory_space<any>>, %arg12: memref<2x2x2048x256xf32, #tpu.memory_space<vmem>>, %arg13: memref<2x2x!tpu.dma_semaphore, #tpu.memory_space<semaphore_mem>>) attributes {dimension_semantics = [#tpu.dimension_semantics<arbitrary>], iteration_bounds = array<i64: 8>, scalar_prefetch = 0 : i64, scratch_operands = 2 : i64, tpu.core_type = #tpu.core_type<tc>, window_params = [{}, {transform_indices = @transform_1, window_bounds = array<i64: 13, 2048>}, {pipeline_mode = #tpu.pipeline_mode<synchronous>, transform_indices = @transform_2, window_bounds = array<i64: 1, 256>}, {pipeline_mode = #tpu.pipeline_mode<synchronous>, transform_indices = @transform_3, window_bounds = array<i64: 1, 256>}, {pipeline_mode = #tpu.pipeline_mode<synchronous>, transform_indices = @transform_4, window_bounds = array<i64: 13, 64>}, {pipeline_mode = #tpu.pipeline_mode<synchronous>, transform_indices = @transform_5, window_bounds = array<i64: 1, 64>}, {pipeline_mode = #tpu.pipeline_mode<synchronous>, transform_indices = @transform_6, window_bounds = array<i64: 64, 128>}, {pipeline_mode = #tpu.pipeline_mode<synchronous>, transform_indices = @transform_7, window_bounds = array<i64: 1, 128>}, {pipeline_mode = #tpu.pipeline_mode<synchronous>, transform_indices = @transform_8, window_bounds = array<i64: 128, 256>}, {pipeline_mode = #tpu.pipeline_mode<synchronous>, transform_indices = @transform_9, window_bounds = array<i64: 1, 256>}, {}]} {
    %rem3A = arith.constant 2 : i32
    %rem3A_0 = arith.remsi %arg0, %rem3A : i32
    %ge3A = arith.constant 2 : i32
    %ge3A_1 = arith.cmpi sge, %arg0, %ge3A : i32
    %convert_element_type3A = arith.extui %ge3A_1 : i1 to i32
    %cond3A = arith.constant 0 : i32
    %cond3A_2 = arith.cmpi ne, %convert_element_type3A, %cond3A : i32
    scf.if %cond3A_2 {
      %sub3A = arith.constant 2 : i32
      %sub3A_114 = arith.subi %arg0, %sub3A : i32
      %rem3A_115 = arith.constant 2 : i32
      %rem3A_116 = arith.remsi %sub3A_114, %rem3A_115 : i32
      %mul3A_117 = arith.constant 2048 : i32
      %mul3A_118 = arith.muli %sub3A_114, %mul3A_117 : i32
      %rem3A_119 = arith.constant 2 : i32
      %rem3A_120 = arith.remsi %sub3A_114, %rem3A_119 : i32
      %dma_wait3A = arith.constant 0 : i32
      %dma_wait3A_121 = arith.constant 0 : i32
      %dma_wait3A_122 = arith.constant 0 : i32
      %dma_wait3A_123 = tpu.memref_slice %arg13[%rem3A_120, %dma_wait3A_122] : memref<2x2x!tpu.dma_semaphore, #tpu.memory_space<semaphore_mem>> -> memref<1x1x!tpu.dma_semaphore, #tpu.memory_space<semaphore_mem>>
      %dma_wait3A_124 = tpu.memref_squeeze %dma_wait3A_123 : memref<1x1x!tpu.dma_semaphore, #tpu.memory_space<semaphore_mem>> -> memref<!tpu.dma_semaphore, #tpu.memory_space<semaphore_mem>>
      %dma_wait3A_125 = arith.constant 0 : i32
      %dma_wait3A_126 = tpu.memref_slice %arg11[%mul3A_118, %dma_wait3A_121, %dma_wait3A_125] : memref<16384x4x256xf32, #tpu.memory_space<any>> -> memref<2048x1x256xf32, #tpu.memory_space<any>>
      %dma_wait3A_127 = tpu.memref_squeeze %dma_wait3A_126 : memref<2048x1x256xf32, #tpu.memory_space<any>> -> memref<2048x256xf32, #tpu.memory_space<any>>
      %dma_wait3A_128 = arith.constant 0 : i32
      %dma_wait3A_129 = arith.constant 0 : i32
      %dma_wait3A_130 = tpu.memref_slice %arg12[%rem3A_116, %dma_wait3A, %dma_wait3A_128, %dma_wait3A_129] : memref<2x2x2048x256xf32, #tpu.memory_space<vmem>> -> memref<1x1x2048x256xf32, #tpu.memory_space<vmem>>
      %dma_wait3A_131 = tpu.memref_squeeze %dma_wait3A_130 : memref<1x1x2048x256xf32, #tpu.memory_space<vmem>> -> memref<2048x256xf32, #tpu.memory_space<vmem>>
      tpu.wait_dma2 semaphore(%dma_wait3A_124 : memref<!tpu.dma_semaphore, #tpu.memory_space<semaphore_mem>>) src(%dma_wait3A_131 : memref<2048x256xf32, #tpu.memory_space<vmem>>) dst(%dma_wait3A_127 : memref<2048x256xf32, #tpu.memory_space<any>>)
      %sub3A_132 = arith.constant 2 : i32
      %sub3A_133 = arith.subi %arg0, %sub3A_132 : i32
      %rem3A_134 = arith.constant 2 : i32
      %rem3A_135 = arith.remsi %sub3A_133, %rem3A_134 : i32
      %mul3A_136 = arith.constant 2048 : i32
      %mul3A_137 = arith.muli %sub3A_133, %mul3A_136 : i32
      %rem3A_138 = arith.constant 2 : i32
      %rem3A_139 = arith.remsi %sub3A_133, %rem3A_138 : i32
      %dma_wait3A_140 = arith.constant 1 : i32
      %dma_wait3A_141 = arith.constant 3 : i32
      %dma_wait3A_142 = arith.constant 1 : i32
      %dma_wait3A_143 = tpu.memref_slice %arg13[%rem3A_139, %dma_wait3A_142] : memref<2x2x!tpu.dma_semaphore, #tpu.memory_space<semaphore_mem>> -> memref<1x1x!tpu.dma_semaphore, #tpu.memory_space<semaphore_mem>>
      %dma_wait3A_144 = tpu.memref_squeeze %dma_wait3A_143 : memref<1x1x!tpu.dma_semaphore, #tpu.memory_space<semaphore_mem>> -> memref<!tpu.dma_semaphore, #tpu.memory_space<semaphore_mem>>
      %dma_wait3A_145 = arith.constant 0 : i32
      %dma_wait3A_146 = tpu.memref_slice %arg11[%mul3A_137, %dma_wait3A_141, %dma_wait3A_145] : memref<16384x4x256xf32, #tpu.memory_space<any>> -> memref<2048x1x256xf32, #tpu.memory_space<any>>
      %dma_wait3A_147 = tpu.memref_squeeze %dma_wait3A_146 : memref<2048x1x256xf32, #tpu.memory_space<any>> -> memref<2048x256xf32, #tpu.memory_space<any>>
      %dma_wait3A_148 = arith.constant 0 : i32
      %dma_wait3A_149 = arith.constant 0 : i32
      %dma_wait3A_150 = tpu.memref_slice %arg12[%rem3A_135, %dma_wait3A_140, %dma_wait3A_148, %dma_wait3A_149] : memref<2x2x2048x256xf32, #tpu.memory_space<vmem>> -> memref<1x1x2048x256xf32, #tpu.memory_space<vmem>>
      %dma_wait3A_151 = tpu.memref_squeeze %dma_wait3A_150 : memref<1x1x2048x256xf32, #tpu.memory_space<vmem>> -> memref<2048x256xf32, #tpu.memory_space<vmem>>
      tpu.wait_dma2 semaphore(%dma_wait3A_144 : memref<!tpu.dma_semaphore, #tpu.memory_space<semaphore_mem>>) src(%dma_wait3A_151 : memref<2048x256xf32, #tpu.memory_space<vmem>>) dst(%dma_wait3A_147 : memref<2048x256xf32, #tpu.memory_space<any>>)
    } else {
    }
    %get3A = arith.constant 0 : index
    %get3A_3 = arith.constant 0 : index
    %get3A_4 = vector.load %arg3[%get3A, %get3A_3] : memref<1x256xf32, #tpu.memory_space<vmem>>, vector<1x256xf32>
    %broadcast_in_dim3A = vector.shape_cast %get3A_4 : vector<1x256xf32> to vector<1x256xf32>
    %broadcast_in_dim3A_5 = vector.broadcast %broadcast_in_dim3A : vector<1x256xf32> to vector<2048x256xf32>
    %swap3A = arith.index_cast %rem3A_0 : i32 to index
    %swap3A_6 = arith.constant 0 : index
    %swap3A_7 = arith.constant 0 : index
    %swap3A_8 = arith.constant 0 : index
    %swap3A_9 = vector.load %arg12[%swap3A, %swap3A_6, %swap3A_7, %swap3A_8] : memref<2x2x2048x256xf32, #tpu.memory_space<vmem>>, vector<1x1x2048x256xf32>
    %swap3A_10 = vector.shape_cast %swap3A_9 : vector<1x1x2048x256xf32> to vector<2048x256xf32>
    %swap3A_11 = vector.shape_cast %broadcast_in_dim3A_5 : vector<2048x256xf32> to vector<1x1x2048x256xf32>
    tpu.vector_store %arg12[%swap3A, %swap3A_6, %swap3A_7, %swap3A_8], %swap3A_11 {strides = array<i32>} : memref<2x2x2048x256xf32, #tpu.memory_space<vmem>>, vector<1x1x2048x256xf32>,
    %rem3A_12 = arith.constant 2 : i32
    %rem3A_13 = arith.remsi %arg0, %rem3A_12 : i32
    %mul3A = arith.constant 2048 : i32
    %mul3A_14 = arith.muli %arg0, %mul3A : i32
    %rem3A_15 = arith.constant 2 : i32
    %rem3A_16 = arith.remsi %arg0, %rem3A_15 : i32
    %dma_start3A = arith.constant 0 : i32
    %dma_start3A_17 = arith.constant 0 : i32
    %dma_start3A_18 = arith.constant 0 : i32
    %dma_start3A_19 = tpu.memref_slice %arg13[%rem3A_16, %dma_start3A_18] : memref<2x2x!tpu.dma_semaphore, #tpu.memory_space<semaphore_mem>> -> memref<1x1x!tpu.dma_semaphore, #tpu.memory_space<semaphore_mem>>
    %dma_start3A_20 = tpu.memref_squeeze %dma_start3A_19 : memref<1x1x!tpu.dma_semaphore, #tpu.memory_space<semaphore_mem>> -> memref<!tpu.dma_semaphore, #tpu.memory_space<semaphore_mem>>
    %dma_start3A_21 = arith.constant 0 : i32
    %dma_start3A_22 = tpu.memref_slice %arg11[%mul3A_14, %dma_start3A_17, %dma_start3A_21] : memref<16384x4x256xf32, #tpu.memory_space<any>> -> memref<2048x1x256xf32, #tpu.memory_space<any>>
    %dma_start3A_23 = tpu.memref_squeeze %dma_start3A_22 : memref<2048x1x256xf32, #tpu.memory_space<any>> -> memref<2048x256xf32, #tpu.memory_space<any>>
    %dma_start3A_24 = arith.constant 0 : i32
    %dma_start3A_25 = arith.constant 0 : i32
    %dma_start3A_26 = tpu.memref_slice %arg12[%rem3A_13, %dma_start3A, %dma_start3A_24, %dma_start3A_25] : memref<2x2x2048x256xf32, #tpu.memory_space<vmem>> -> memref<1x1x2048x256xf32, #tpu.memory_space<vmem>>
    %dma_start3A_27 = tpu.memref_squeeze %dma_start3A_26 : memref<1x1x2048x256xf32, #tpu.memory_space<vmem>> -> memref<2048x256xf32, #tpu.memory_space<vmem>>
    tpu.enqueue_dma source(%dma_start3A_27 : memref<2048x256xf32, #tpu.memory_space<vmem>>) target(%dma_start3A_23 : memref<2048x256xf32, #tpu.memory_space<any>>) target_semaphore(%dma_start3A_20 : memref<!tpu.dma_semaphore, #tpu.memory_space<semaphore_mem>>)
    %get3A_28 = arith.constant 0 : index
    %get3A_29 = arith.constant 0 : index
    %get3A_30 = vector.load %arg2[%get3A_28, %get3A_29] : memref<13x2048xf32, #tpu.memory_space<vmem>>, vector<13x2048xf32>
    %get3A_31 = arith.constant 0 : index
    %get3A_32 = arith.constant 0 : index
    %get3A_33 = vector.load %arg5[%get3A_31, %get3A_32] : memref<13x64xf32, #tpu.memory_space<vmem>>, vector<13x64xf32>
    %dot_general3A = arith.constant dense<0.000000e+00> : vector<2048x64xf32>
    %dot_general3A_34 = tpu.matmul %get3A_30, %get3A_33, %dot_general3A {dimension_numbers = #tpu.dot_dimension_numbers<[0], [0], [1], [1], [0, 1, 1, 1], [], []>, transpose_lhs_hint = false} : vector<13x2048xf32>, vector<13x64xf32>, vector<2048x64xf32> -> vector<2048x64xf32>
    %get3A_35 = arith.constant 0 : index
    %get3A_36 = arith.constant 0 : index
    %get3A_37 = vector.load %arg6[%get3A_35, %get3A_36] : memref<1x64xf32, #tpu.memory_space<vmem>>, vector<1x64xf32>
    %add3A = vector.broadcast %get3A_37 : vector<1x64xf32> to vector<2048x64xf32>
    %add3A_38 = arith.addf %dot_general3A_34, %add3A : vector<2048x64xf32>
    %mul3A_39 = arith.constant 5.000000e-01 : f32
    %mul3A_40 = vector.broadcast %mul3A_39 : f32 to vector<2048x64xf32>
    %mul3A_41 = arith.mulf %mul3A_40, %add3A_38 : vector<2048x64xf32>
    %mul3A_42 = arith.constant 0.707106769 : f32
    %mul3A_43 = vector.broadcast %mul3A_42 : f32 to vector<2048x64xf32>
    %mul3A_44 = arith.mulf %add3A_38, %mul3A_43 : vector<2048x64xf32>
    %erf3A = math.erf %mul3A_44 : vector<2048x64xf32>
    %add3A_45 = arith.constant 1.000000e+00 : f32
    %add3A_46 = vector.broadcast %add3A_45 : f32 to vector<2048x64xf32>
    %add3A_47 = arith.addf %add3A_46, %erf3A : vector<2048x64xf32>
    %mul3A_48 = arith.mulf %mul3A_41, %add3A_47 : vector<2048x64xf32>
    %get3A_49 = arith.constant 0 : index
    %get3A_50 = arith.constant 0 : index
    %get3A_51 = vector.load %arg7[%get3A_49, %get3A_50] : memref<64x128xf32, #tpu.memory_space<vmem>>, vector<64x128xf32>
    %dot_general3A_52 = arith.constant dense<0.000000e+00> : vector<2048x128xf32>
    %dot_general3A_53 = tpu.matmul %mul3A_48, %get3A_51, %dot_general3A_52 {dimension_numbers = #tpu.dot_dimension_numbers<[1], [0], [0], [1], [0, 0, 1, 1], [], []>, transpose_lhs_hint = false} : vector<2048x64xf32>, vector<64x128xf32>, vector<2048x128xf32> -> vector<2048x128xf32>
    %get3A_54 = arith.constant 0 : index
    %get3A_55 = arith.constant 0 : index
    %get3A_56 = vector.load %arg8[%get3A_54, %get3A_55] : memref<1x128xf32, #tpu.memory_space<vmem>>, vector<1x128xf32>
    %add3A_57 = vector.broadcast %get3A_56 : vector<1x128xf32> to vector<2048x128xf32>
    %add3A_58 = arith.addf %dot_general3A_53, %add3A_57 : vector<2048x128xf32>
    %mul3A_59 = arith.constant 5.000000e-01 : f32
    %mul3A_60 = vector.broadcast %mul3A_59 : f32 to vector<2048x128xf32>
    %mul3A_61 = arith.mulf %mul3A_60, %add3A_58 : vector<2048x128xf32>
    %mul3A_62 = arith.constant 0.707106769 : f32
    %mul3A_63 = vector.broadcast %mul3A_62 : f32 to vector<2048x128xf32>
    %mul3A_64 = arith.mulf %add3A_58, %mul3A_63 : vector<2048x128xf32>
    %erf3A_65 = math.erf %mul3A_64 : vector<2048x128xf32>
    %add3A_66 = arith.constant 1.000000e+00 : f32
    %add3A_67 = vector.broadcast %add3A_66 : f32 to vector<2048x128xf32>
    %add3A_68 = arith.addf %add3A_67, %erf3A_65 : vector<2048x128xf32>
    %mul3A_69 = arith.mulf %mul3A_61, %add3A_68 : vector<2048x128xf32>
    %get3A_70 = arith.constant 0 : index
    %get3A_71 = arith.constant 0 : index
    %get3A_72 = vector.load %arg9[%get3A_70, %get3A_71] : memref<128x256xf32, #tpu.memory_space<vmem>>, vector<128x256xf32>
    %dot_general3A_73 = arith.constant dense<0.000000e+00> : vector<2048x256xf32>
    %dot_general3A_74 = tpu.matmul %mul3A_69, %get3A_72, %dot_general3A_73 {dimension_numbers = #tpu.dot_dimension_numbers<[1], [0], [0], [1], [0, 0, 1, 1], [], []>, transpose_lhs_hint = false} : vector<2048x128xf32>, vector<128x256xf32>, vector<2048x256xf32> -> vector<2048x256xf32>
    %get3A_75 = arith.constant 0 : index
    %get3A_76 = arith.constant 0 : index
    %get3A_77 = vector.load %arg10[%get3A_75, %get3A_76] : memref<1x256xf32, #tpu.memory_space<vmem>>, vector<1x256xf32>
    %add3A_78 = vector.broadcast %get3A_77 : vector<1x256xf32> to vector<2048x256xf32>
    %add3A_79 = arith.addf %dot_general3A_74, %add3A_78 : vector<2048x256xf32>
    %get3A_80 = arith.constant 0 : index
    %get3A_81 = arith.constant 0 : index
    %get3A_82 = vector.load %arg4[%get3A_80, %get3A_81] : memref<1x256xf32, #tpu.memory_space<vmem>>, vector<1x256xf32>
    %add3A_83 = vector.broadcast %get3A_82 : vector<1x256xf32> to vector<2048x256xf32>
    %add3A_84 = arith.addf %add3A_79, %add3A_83 : vector<2048x256xf32>
    %swap3A_85 = arith.index_cast %rem3A_0 : i32 to index
    %swap3A_86 = arith.constant 1 : index
    %swap3A_87 = arith.constant 0 : index
    %swap3A_88 = arith.constant 0 : index
    %swap3A_89 = vector.load %arg12[%swap3A_85, %swap3A_86, %swap3A_87, %swap3A_88] : memref<2x2x2048x256xf32, #tpu.memory_space<vmem>>, vector<1x1x2048x256xf32>
    %swap3A_90 = vector.shape_cast %swap3A_89 : vector<1x1x2048x256xf32> to vector<2048x256xf32>
    %swap3A_91 = vector.shape_cast %add3A_84 : vector<2048x256xf32> to vector<1x1x2048x256xf32>
    tpu.vector_store %arg12[%swap3A_85, %swap3A_86, %swap3A_87, %swap3A_88], %swap3A_91 {strides = array<i32>} : memref<2x2x2048x256xf32, #tpu.memory_space<vmem>>, vector<1x1x2048x256xf32>,
    %rem3A_92 = arith.constant 2 : i32
    %rem3A_93 = arith.remsi %arg0, %rem3A_92 : i32
    %mul3A_94 = arith.constant 2048 : i32
    %mul3A_95 = arith.muli %arg0, %mul3A_94 : i32
    %rem3A_96 = arith.constant 2 : i32
    %rem3A_97 = arith.remsi %arg0, %rem3A_96 : i32
    %dma_start3A_98 = arith.constant 1 : i32
    %dma_start3A_99 = arith.constant 3 : i32
    %dma_start3A_100 = arith.constant 1 : i32
    %dma_start3A_101 = tpu.memref_slice %arg13[%rem3A_97, %dma_start3A_100] : memref<2x2x!tpu.dma_semaphore, #tpu.memory_space<semaphore_mem>> -> memref<1x1x!tpu.dma_semaphore, #tpu.memory_space<semaphore_mem>>
    %dma_start3A_102 = tpu.memref_squeeze %dma_start3A_101 : memref<1x1x!tpu.dma_semaphore, #tpu.memory_space<semaphore_mem>> -> memref<!tpu.dma_semaphore, #tpu.memory_space<semaphore_mem>>
    %dma_start3A_103 = arith.constant 0 : i32
    %dma_start3A_104 = tpu.memref_slice %arg11[%mul3A_95, %dma_start3A_99, %dma_start3A_103] : memref<16384x4x256xf32, #tpu.memory_space<any>> -> memref<2048x1x256xf32, #tpu.memory_space<any>>
    %dma_start3A_105 = tpu.memref_squeeze %dma_start3A_104 : memref<2048x1x256xf32, #tpu.memory_space<any>> -> memref<2048x256xf32, #tpu.memory_space<any>>
    %dma_start3A_106 = arith.constant 0 : i32
    %dma_start3A_107 = arith.constant 0 : i32
    %dma_start3A_108 = tpu.memref_slice %arg12[%rem3A_93, %dma_start3A_98, %dma_start3A_106, %dma_start3A_107] : memref<2x2x2048x256xf32, #tpu.memory_space<vmem>> -> memref<1x1x2048x256xf32, #tpu.memory_space<vmem>>
    %dma_start3A_109 = tpu.memref_squeeze %dma_start3A_108 : memref<1x1x2048x256xf32, #tpu.memory_space<vmem>> -> memref<2048x256xf32, #tpu.memory_space<vmem>>
    tpu.enqueue_dma source(%dma_start3A_109 : memref<2048x256xf32, #tpu.memory_space<vmem>>) target(%dma_start3A_105 : memref<2048x256xf32, #tpu.memory_space<any>>) target_semaphore(%dma_start3A_102 : memref<!tpu.dma_semaphore, #tpu.memory_space<semaphore_mem>>)
    %eq3A = arith.constant 7 : i32
    %eq3A_110 = arith.cmpi eq, %arg0, %eq3A : i32
    %convert_element_type3A_111 = arith.extui %eq3A_110 : i1 to i32
    %cond3A_112 = arith.constant 0 : i32
    %cond3A_113 = arith.cmpi ne, %convert_element_type3A_111, %cond3A_112 : i32
    scf.if %cond3A_113 {
      %sub3A = arith.constant 1 : i32
      %sub3A_114 = arith.subi %arg0, %sub3A : i32
      %rem3A_115 = arith.constant 2 : i32
      %rem3A_116 = arith.remsi %sub3A_114, %rem3A_115 : i32
      %mul3A_117 = arith.constant 2048 : i32
      %mul3A_118 = arith.muli %sub3A_114, %mul3A_117 : i32
      %rem3A_119 = arith.constant 2 : i32
      %rem3A_120 = arith.remsi %sub3A_114, %rem3A_119 : i32
      %dma_wait3A = arith.constant 0 : i32
      %dma_wait3A_121 = arith.constant 0 : i32
      %dma_wait3A_122 = arith.constant 0 : i32
      %dma_wait3A_123 = tpu.memref_slice %arg13[%rem3A_120, %dma_wait3A_122] : memref<2x2x!tpu.dma_semaphore, #tpu.memory_space<semaphore_mem>> -> memref<1x1x!tpu.dma_semaphore, #tpu.memory_space<semaphore_mem>>
      %dma_wait3A_124 = tpu.memref_squeeze %dma_wait3A_123 : memref<1x1x!tpu.dma_semaphore, #tpu.memory_space<semaphore_mem>> -> memref<!tpu.dma_semaphore, #tpu.memory_space<semaphore_mem>>
      %dma_wait3A_125 = arith.constant 0 : i32
      %dma_wait3A_126 = tpu.memref_slice %arg11[%mul3A_118, %dma_wait3A_121, %dma_wait3A_125] : memref<16384x4x256xf32, #tpu.memory_space<any>> -> memref<2048x1x256xf32, #tpu.memory_space<any>>
      %dma_wait3A_127 = tpu.memref_squeeze %dma_wait3A_126 : memref<2048x1x256xf32, #tpu.memory_space<any>> -> memref<2048x256xf32, #tpu.memory_space<any>>
      %dma_wait3A_128 = arith.constant 0 : i32
      %dma_wait3A_129 = arith.constant 0 : i32
      %dma_wait3A_130 = tpu.memref_slice %arg12[%rem3A_116, %dma_wait3A, %dma_wait3A_128, %dma_wait3A_129] : memref<2x2x2048x256xf32, #tpu.memory_space<vmem>> -> memref<1x1x2048x256xf32, #tpu.memory_space<vmem>>
      %dma_wait3A_131 = tpu.memref_squeeze %dma_wait3A_130 : memref<1x1x2048x256xf32, #tpu.memory_space<vmem>> -> memref<2048x256xf32, #tpu.memory_space<vmem>>
      tpu.wait_dma2 semaphore(%dma_wait3A_124 : memref<!tpu.dma_semaphore, #tpu.memory_space<semaphore_mem>>) src(%dma_wait3A_131 : memref<2048x256xf32, #tpu.memory_space<vmem>>) dst(%dma_wait3A_127 : memref<2048x256xf32, #tpu.memory_space<any>>)
      %sub3A_132 = arith.constant 1 : i32
      %sub3A_133 = arith.subi %arg0, %sub3A_132 : i32
      %rem3A_134 = arith.constant 2 : i32
      %rem3A_135 = arith.remsi %sub3A_133, %rem3A_134 : i32
      %mul3A_136 = arith.constant 2048 : i32
      %mul3A_137 = arith.muli %sub3A_133, %mul3A_136 : i32
      %rem3A_138 = arith.constant 2 : i32
      %rem3A_139 = arith.remsi %sub3A_133, %rem3A_138 : i32
      %dma_wait3A_140 = arith.constant 1 : i32
      %dma_wait3A_141 = arith.constant 3 : i32
      %dma_wait3A_142 = arith.constant 1 : i32
      %dma_wait3A_143 = tpu.memref_slice %arg13[%rem3A_139, %dma_wait3A_142] : memref<2x2x!tpu.dma_semaphore, #tpu.memory_space<semaphore_mem>> -> memref<1x1x!tpu.dma_semaphore, #tpu.memory_space<semaphore_mem>>
      %dma_wait3A_144 = tpu.memref_squeeze %dma_wait3A_143 : memref<1x1x!tpu.dma_semaphore, #tpu.memory_space<semaphore_mem>> -> memref<!tpu.dma_semaphore, #tpu.memory_space<semaphore_mem>>
      %dma_wait3A_145 = arith.constant 0 : i32
      %dma_wait3A_146 = tpu.memref_slice %arg11[%mul3A_137, %dma_wait3A_141, %dma_wait3A_145] : memref<16384x4x256xf32, #tpu.memory_space<any>> -> memref<2048x1x256xf32, #tpu.memory_space<any>>
      %dma_wait3A_147 = tpu.memref_squeeze %dma_wait3A_146 : memref<2048x1x256xf32, #tpu.memory_space<any>> -> memref<2048x256xf32, #tpu.memory_space<any>>
      %dma_wait3A_148 = arith.constant 0 : i32
      %dma_wait3A_149 = arith.constant 0 : i32
      %dma_wait3A_150 = tpu.memref_slice %arg12[%rem3A_135, %dma_wait3A_140, %dma_wait3A_148, %dma_wait3A_149] : memref<2x2x2048x256xf32, #tpu.memory_space<vmem>> -> memref<1x1x2048x256xf32, #tpu.memory_space<vmem>>
      %dma_wait3A_151 = tpu.memref_squeeze %dma_wait3A_150 : memref<1x1x2048x256xf32, #tpu.memory_space<vmem>> -> memref<2048x256xf32, #tpu.memory_space<vmem>>
      tpu.wait_dma2 semaphore(%dma_wait3A_144 : memref<!tpu.dma_semaphore, #tpu.memory_space<semaphore_mem>>) src(%dma_wait3A_151 : memref<2048x256xf32, #tpu.memory_space<vmem>>) dst(%dma_wait3A_147 : memref<2048x256xf32, #tpu.memory_space<any>>)
      %rem3A_152 = arith.constant 2 : i32
      %rem3A_153 = arith.remsi %arg0, %rem3A_152 : i32
      %mul3A_154 = arith.constant 2048 : i32
      %mul3A_155 = arith.muli %arg0, %mul3A_154 : i32
      %rem3A_156 = arith.constant 2 : i32
      %rem3A_157 = arith.remsi %arg0, %rem3A_156 : i32
      %dma_wait3A_158 = arith.constant 0 : i32
      %dma_wait3A_159 = arith.constant 0 : i32
      %dma_wait3A_160 = arith.constant 0 : i32
      %dma_wait3A_161 = tpu.memref_slice %arg13[%rem3A_157, %dma_wait3A_160] : memref<2x2x!tpu.dma_semaphore, #tpu.memory_space<semaphore_mem>> -> memref<1x1x!tpu.dma_semaphore, #tpu.memory_space<semaphore_mem>>
      %dma_wait3A_162 = tpu.memref_squeeze %dma_wait3A_161 : memref<1x1x!tpu.dma_semaphore, #tpu.memory_space<semaphore_mem>> -> memref<!tpu.dma_semaphore, #tpu.memory_space<semaphore_mem>>
      %dma_wait3A_163 = arith.constant 0 : i32
      %dma_wait3A_164 = tpu.memref_slice %arg11[%mul3A_155, %dma_wait3A_159, %dma_wait3A_163] : memref<16384x4x256xf32, #tpu.memory_space<any>> -> memref<2048x1x256xf32, #tpu.memory_space<any>>
      %dma_wait3A_165 = tpu.memref_squeeze %dma_wait3A_164 : memref<2048x1x256xf32, #tpu.memory_space<any>> -> memref<2048x256xf32, #tpu.memory_space<any>>
      %dma_wait3A_166 = arith.constant 0 : i32
      %dma_wait3A_167 = arith.constant 0 : i32
      %dma_wait3A_168 = tpu.memref_slice %arg12[%rem3A_153, %dma_wait3A_158, %dma_wait3A_166, %dma_wait3A_167] : memref<2x2x2048x256xf32, #tpu.memory_space<vmem>> -> memref<1x1x2048x256xf32, #tpu.memory_space<vmem>>
      %dma_wait3A_169 = tpu.memref_squeeze %dma_wait3A_168 : memref<1x1x2048x256xf32, #tpu.memory_space<vmem>> -> memref<2048x256xf32, #tpu.memory_space<vmem>>
      tpu.wait_dma2 semaphore(%dma_wait3A_162 : memref<!tpu.dma_semaphore, #tpu.memory_space<semaphore_mem>>) src(%dma_wait3A_169 : memref<2048x256xf32, #tpu.memory_space<vmem>>) dst(%dma_wait3A_165 : memref<2048x256xf32, #tpu.memory_space<any>>)
      %rem3A_170 = arith.constant 2 : i32
      %rem3A_171 = arith.remsi %arg0, %rem3A_170 : i32
      %mul3A_172 = arith.constant 2048 : i32
      %mul3A_173 = arith.muli %arg0, %mul3A_172 : i32
      %rem3A_174 = arith.constant 2 : i32
      %rem3A_175 = arith.remsi %arg0, %rem3A_174 : i32
      %dma_wait3A_176 = arith.constant 1 : i32
      %dma_wait3A_177 = arith.constant 3 : i32
      %dma_wait3A_178 = arith.constant 1 : i32
      %dma_wait3A_179 = tpu.memref_slice %arg13[%rem3A_175, %dma_wait3A_178] : memref<2x2x!tpu.dma_semaphore, #tpu.memory_space<semaphore_mem>> -> memref<1x1x!tpu.dma_semaphore, #tpu.memory_space<semaphore_mem>>
      %dma_wait3A_180 = tpu.memref_squeeze %dma_wait3A_179 : memref<1x1x!tpu.dma_semaphore, #tpu.memory_space<semaphore_mem>> -> memref<!tpu.dma_semaphore, #tpu.memory_space<semaphore_mem>>
      %dma_wait3A_181 = arith.constant 0 : i32
      %dma_wait3A_182 = tpu.memref_slice %arg11[%mul3A_173, %dma_wait3A_177, %dma_wait3A_181] : memref<16384x4x256xf32, #tpu.memory_space<any>> -> memref<2048x1x256xf32, #tpu.memory_space<any>>
      %dma_wait3A_183 = tpu.memref_squeeze %dma_wait3A_182 : memref<2048x1x256xf32, #tpu.memory_space<any>> -> memref<2048x256xf32, #tpu.memory_space<any>>
      %dma_wait3A_184 = arith.constant 0 : i32
      %dma_wait3A_185 = arith.constant 0 : i32
      %dma_wait3A_186 = tpu.memref_slice %arg12[%rem3A_171, %dma_wait3A_176, %dma_wait3A_184, %dma_wait3A_185] : memref<2x2x2048x256xf32, #tpu.memory_space<vmem>> -> memref<1x1x2048x256xf32, #tpu.memory_space<vmem>>
      %dma_wait3A_187 = tpu.memref_squeeze %dma_wait3A_186 : memref<1x1x2048x256xf32, #tpu.memory_space<vmem>> -> memref<2048x256xf32, #tpu.memory_space<vmem>>
      tpu.wait_dma2 semaphore(%dma_wait3A_180 : memref<!tpu.dma_semaphore, #tpu.memory_space<semaphore_mem>>) src(%dma_wait3A_187 : memref<2048x256xf32, #tpu.memory_space<vmem>>) dst(%dma_wait3A_183 : memref<2048x256xf32, #tpu.memory_space<any>>)
    } else {
    }
    return
  }
  func.func @transform_1(%arg0: i32) -> (i32, i32) {
    %c0_i32 = arith.constant 0 : i32
    %c0_i32_0 = arith.constant 0 : i32
    return %c0_i32, %arg0 : i32, i32
  }
  func.func @transform_2(%arg0: i32) -> (i32, i32) {
    %c0_i32 = arith.constant 0 : i32
    %c0_i32_0 = arith.constant 0 : i32
    %c0_i32_1 = arith.constant 0 : i32
    return %c0_i32, %c0_i32_0 : i32, i32
  }
  func.func @transform_3(%arg0: i32) -> (i32, i32) {
    %c0_i32 = arith.constant 0 : i32
    %c0_i32_0 = arith.constant 0 : i32
    %c0_i32_1 = arith.constant 0 : i32
    return %c0_i32, %c0_i32_0 : i32, i32
  }
  func.func @transform_4(%arg0: i32) -> (i32, i32) {
    %c0_i32 = arith.constant 0 : i32
    %c0_i32_0 = arith.constant 0 : i32
    %c0_i32_1 = arith.constant 0 : i32
    return %c0_i32, %c0_i32_0 : i32, i32
  }
  func.func @transform_5(%arg0: i32) -> (i32, i32) {
    %c0_i32 = arith.constant 0 : i32
    %c0_i32_0 = arith.constant 0 : i32
    %c0_i32_1 = arith.constant 0 : i32
    return %c0_i32, %c0_i32_0 : i32, i32
  }
  func.func @transform_6(%arg0: i32) -> (i32, i32) {
    %c0_i32 = arith.constant 0 : i32
    %c0_i32_0 = arith.constant 0 : i32
    %c0_i32_1 = arith.constant 0 : i32
    return %c0_i32, %c0_i32_0 : i32, i32
  }
  func.func @transform_7(%arg0: i32) -> (i32, i32) {
    %c0_i32 = arith.constant 0 : i32
    %c0_i32_0 = arith.constant 0 : i32
    %c0_i32_1 = arith.constant 0 : i32
    return %c0_i32, %c0_i32_0 : i32, i32
  }
  func.func @transform_8(%arg0: i32) -> (i32, i32) {
    %c0_i32 = arith.constant 0 : i32
    %c0_i32_0 = arith.constant 0 : i32
    %c0_i32_1 = arith.constant 0 : i32
    return %c0_i32, %c0_i32_0 : i32, i32
  }
  func.func @transform_9(%arg0: i32) -> (i32, i32) {
    %c0_i32 = arith.constant 0 : i32
    %c0_i32_0 = arith.constant 0 : i32
    %c0_i32_1 = arith.constant 0 : i32
    return %c0_i32, %c0_i32_0 : i32, i32
  }
}

</mosaic_0001>

<sc_bundles>
// kernel: kernel.4.cloned.1.call-start
scs
__scs_entry_jumppad:
0x0: {  	(pc) =	sbr.rel $0x88, $3  }
0x1: {  	(tag) =	ssettag $0x0;
	lr =	simm.s32 $0x1  }
0x2: {  	[smem:$0x3F94] =	sst lr;
	_ =	strace $0xD0000000  }
0x3: {  	_ = 	snop  }
0x4: {  	_ = 	snop  }
0x5: {  	_ = 	snop  }
0x6: {  	_ = 	snop  }
0x7: {  	_ = 	snop  }
__scs_overlays_trampoline_lowered:
0x8: {  	[smem:$0x3FA3] =	sst s0  }
0x9: {  	[smem:$0x3FA4] =	sst s1  }
0xa: {  	[smem:$0x3FA5] =	sst s2  }
0xb: {  	[smem:$0x3FA6] =	sst s3  }
0xc: {  	[smem:$0x3FA7] =	sst s4  }
0xd: {  	[smem:$0x3FA8] =	sst s5  }
0xe: {  	[smem:$0x3FA9] =	sst s6  }
0xf: {  	[smem:$0x3FAA] =	sst s7  }
0x10: {  	[smem:$0x3FAB] =	sst s8  }
0x11: {  	[smem:$0x3FAC] =	sst s9;
	s0 =	simm.s32 @!p0 $0x0  }
0x12: {  	s1 =	sld [smem:$0x3F92];
	s0 =	simm.s32 @p0 $0x1  }
0x13: {  	[smem:$0x3FAD] =	sst s0;
	s0 =	simm.s32 @!p1 $0x0  }
0x14: {  	s2 =	sld [smem:$0x3F91];
	s0 =	simm.s32 @p1 $0x1  }
0x15: {  	[smem:$0x3FAE] =	sst s0;
	s0 =	simm.s32 @!p2 $0x0  }
0x16: {  	s3 =	sld [smem:$0x3FDB];
	s0 =	simm.s32 @p2 $0x1  }
0x17: {  	s4 =	simm.s32 $0x1BF5;
	[smem:$0x3FB0] =	sst s0  }
0x18: {  	s0 =	sld [smem:$0x3F93];
	_ =	swait.ge [sflag:s4], $0x0  }
0x19: {  	s7 =	sld [smem:$0x3F94]  }
0x1a: {  	s8 =	sadd.s32 $0xFFFFE003, lr  }
0x1b: {  	s9 =	sadd.s32 $0xFFFFFEF7, lr;
	s5 =	simm.s32 $0xFFFFFFFF;
	p2 =	slt.u32 s8, $0xFFFFF086  }
0x1c: {  	p1 =	slt.u32 s9, $0xF7A;
	s5 =	simm.s32 @!p2 $0x0  }
0x1d: {  	s5 =	simm.s32 @p1 $0x1;
	p0 =	seq.s32 s7, s2  }
0x1e: {  	s7 =	smul.u32 @!p0 $0xF7A, s2;
	p2 =	seq.s32 @!p0 s5, $0x0  }
0x1f: {  	s9 =	smul.u32 $0xF7A, s1;
	s8 =	simm.s32 @!p0 $0x1BF5;
	p2 =	por !p2, p0  }
0x20: {  	[sflag:s8] =	ssyncset.s32 @!p0 $0xFFFFF086;
	s6 =	sadd.s32 @!p0 s3, s7;
	s7 =	simm.s32 @!p0 $0x108  }
0x21: {  	s3 =	sadd.s32 s3, s9;
	s6 =	sadd.s32 @!p0 $0x88, s6;
	s7 =	simm.s32 @p2 $0x1082  }
0x22: {  	[simem:s7], [sflag:s8] =	dma.local @!p0 [hbm:s6], $0xF7A  }
0x23: {  	s9 =	sor.u32 $0xD0000000, s2;
	s6 =	simm.s32 $0x108;
	_ =	swait.ge @!p0 [sflag:s8], $0x0  }
0x24: {  	s3 =	sadd.s32 $0x88, s3;
	s6 =	simm.s32 @!p1 $0x1082;
	[sflag:s4] =	ssyncset.s32 $0xFFFFF086  }
0x25: {  	[simem:s6], [sflag:s4] =	dma.local [hbm:s3], $0xF7A  }
0x26: {  	[smem:$0x3F94] =	sst s1;
	(tag) =	ssettag s2;
	_ =	strace s9  }
0x27: {  	s1 =	sld [smem:$0x3FA4]  }
0x28: {  	s2 =	sld [smem:$0x3FA5]  }
0x29: {  	s4 =	sld [smem:$0x3FA7]  }
0x2a: {  	p0 =	seq.s32 s5, $0x0;
	s5 =	sld [smem:$0x3FA8]  }
0x2b: {  	s6 =	sld [smem:$0x3FA9]  }
0x2c: {  	s7 =	sld [smem:$0x3FAA]  }
0x2d: {  	s3 =	simm.s32 $0x108;
	s8 =	sld [smem:$0x3FAB]  }
0x2e: {  	s3 =	simm.s32 @!p0 $0x1082;
	s9 =	sld [smem:$0x3FAC]  }
0x2f: {  	lr =	sadd.s32 s0, s3;
	s0 =	sld [smem:$0x3FA3]  }
0x30: {  	s3 =	sld [smem:$0x3FA6]  }
0x31: {  	[smem:$0x3FAF] =	sst s10  }
0x32: {  	s10 =	sld [smem:$0x3FAD];
	_ =	sdelay $0x3  }
0x33: {  	p0 =	seq.s32 s10, $0x1;
	s10 =	sld [smem:$0x3FAF];
	_ =	sdelay $0x3  }
0x34: {  	[smem:$0x3FAF] =	sst s10  }
0x35: {  	s10 =	sld [smem:$0x3FAE];
	_ =	sdelay $0x3  }
0x36: {  	p1 =	seq.s32 s10, $0x1;
	s10 =	sld [smem:$0x3FAF];
	_ =	sdelay $0x3  }
0x37: {  	[smem:$0x3FAF] =	sst s10  }
0x38: {  	s10 =	sld [smem:$0x3FB0]  }
0x39: {  	_ = 	snop;
	(pc) =	sbr.ind lr, $3  }
0x3a: {  	_ = 	snop  }
0x3b: {  	_ = 	snop  }
0x3c: {  	p2 =	seq.s32 s10, $0x1;
	s10 =	sld [smem:$0x3FAF]  }
0x3d: {  	_ =	shalt  }
0x3e: {  	_ =	shalt  }
0x3f: {  	_ =	shalt  }
0x40: {  	_ =	shalt  }
0x41: {  	_ =	shalt  }
0x42: {  	_ =	shalt  }
0x43: {  	_ =	shalt  }
0x44: {  	_ =	shalt  }
0x45: {  	_ =	shalt  }
0x46: {  	_ =	shalt  }
0x47: {  	_ =	shalt  }
0x48: {  	_ =	shalt  }
0x49: {  	_ =	shalt  }
0x4a: {  	_ =	shalt  }
0x4b: {  	_ =	shalt  }
0x4c: {  	_ =	shalt  }
0x4d: {  	_ =	shalt  }
0x4e: {  	_ =	shalt  }
0x4f: {  	_ =	shalt  }
0x50: {  	_ =	shalt  }
0x51: {  	_ =	shalt  }
0x52: {  	_ =	shalt  }
0x53: {  	_ =	shalt  }
0x54: {  	_ =	shalt  }
0x55: {  	_ =	shalt  }
0x56: {  	_ =	shalt  }
0x57: {  	_ =	shalt  }
0x58: {  	_ =	shalt  }
0x59: {  	_ =	shalt  }
0x5a: {  	_ =	shalt  }
0x5b: {  	_ =	shalt  }
0x5c: {  	_ =	shalt  }
0x5d: {  	_ =	shalt  }
0x5e: {  	_ =	shalt  }
0x5f: {  	_ =	shalt  }
0x60: {  	_ =	shalt  }
0x61: {  	_ =	shalt  }
0x62: {  	_ =	shalt  }
0x63: {  	_ =	shalt  }
0x64: {  	_ =	shalt  }
0x65: {  	_ =	shalt  }
0x66: {  	_ =	shalt  }
0x67: {  	_ =	shalt  }
0x68: {  	_ =	shalt  }
0x69: {  	_ =	shalt  }
0x6a: {  	_ =	shalt  }
0x6b: {  	_ =	shalt  }
0x6c: {  	_ =	shalt  }
0x6d: {  	_ =	shalt  }
0x6e: {  	_ =	shalt  }
0x6f: {  	_ =	shalt  }
0x70: {  	_ =	shalt  }
0x71: {  	_ =	shalt  }
0x72: {  	_ =	shalt  }
0x73: {  	_ =	shalt  }
0x74: {  	_ =	shalt  }
0x75: {  	_ =	shalt  }
0x76: {  	_ =	shalt  }
0x77: {  	_ =	shalt  }
0x78: {  	_ =	shalt  }
0x79: {  	_ =	shalt  }
0x7a: {  	_ =	shalt  }
0x7b: {  	_ =	shalt  }
0x7c: {  	_ =	shalt  }
0x7d: {  	_ =	shalt  }
0x7e: {  	_ =	shalt  }
0x7f: {  	_ =	shalt  }
0x80: {  	_ =	shalt  }
0x81: {  	_ =	shalt  }
0x82: {  	_ =	shalt  }
0x83: {  	_ =	shalt  }
0x84: {  	_ =	shalt  }
0x85: {  	_ =	shalt  }
0x86: {  	_ =	shalt  }
0x87: {  	_ =	shalt  }
.Lfunc_end0:
.L_simem_size_0:
called_computation_lowered:
.L_overlay_start_0:
0x88: {  	s2 =	sld [smem:$0x3FD9]  }
0x89: {  	s3 =	sld [smem:$0x3FFE];
	_ =	sdelay $0x1  }
0x8a: {  	s1 =	srdreg.scid  }
0x8b: {  	s0 =	sand.u32 $0x1, s1  }
0x8c: {  	s15 =	sshll.u32 s0, $0xA;
	s2 =	sadd.s32 s3, s2  }
0x8d: {  	s2 =	sadd.s32 s2, s15  }
0x8e: {  	[smem:$0x3FBB] =	sst s2  }
0x8f: {  	_ = 	snop  }
0x90: {  	s2 =	sld [smem:$0x3FC9]  }
0x91: {  	s16 =	sld [smem:$0x3FD0]  }
0x92: {  	s4 =	sld [smem:$0x3FC8]  }
0x93: {  	s5 =	sld [smem:$0x3FC5]  }
0x94: {  	s7 =	simm.s32 $0xA;
	s8 =	simm.s32 $0x10;
	s6 =	sld [smem:$0x3FC4]  }
0x95: {  	[smem:s8], [sflag:s7] =	dma.local [hbm:s16], $0x1  }
0x96: {  	_ =	swait.eq [sflag:s7], $0x1  }
0x97: {  	[sflag:s7] =	ssyncset.done $0x0  }
0x98: {  	[sflag:s7] =	ssyncadd.s32 $0xFFFFFFFF  }
0x99: {  	s17 =	sld [smem:$0x10];
	(tm) =	ssettm $0x1  }
0x9a: {  	s18 =	sld [smem:$0x3FFB];
	_ =	sdelay $0x3  }
0x9b: {  	_ =	strace s18  }
0x9c: {  	s7 =	sld [smem:$0x3FFC];
	_ =	sdelay $0x3  }
0x9d: {  	_ =	strace s7  }
0x9e: {  	s7 =	sld [smem:$0x3FFD];
	_ =	sdelay $0x3  }
0x9f: {  	_ =	strace s7  }
0xa0: {  	_ =	strace $0x8FFFFFFF  }
0xa1: {  	s19 =	sld [smem:$0x3FDB];
	_ =	sdelay $0x1  }
0xa2: {  	s20 =	simm.s32 $_scs_section_size  }
0xa3: {  	s9 =	simm.s32 $_size__tile_overlayer_lowered;
	s10 =	simm.s32 $_tile_overlayer_lowered  }
0xa4: {  	s23 =	simm.s32 $0x1BFF;
	s22 =	sshll.u32 s10, $0x1;
	s7 =	sadd.s32 s20, s19  }
0xa5: {  	s11 =	simm.s32 $0x0;
	s21 =	sshll.u32 s9, $0x1;
	s9 =	sadd.s32 s22, s7  }
0xa6: {  	[timem:s11], [sflag:s23] =	dma.local [hbm:s9], s21  }
0xa7: {  	_ =	swait.ge [sflag:s23], s21  }
0xa8: {  	s8 =	ssub.s32 $0x0, s21;
	[sflag:s23] =	ssyncset.done $0x0  }
0xa9: {  	[sflag:s23] =	ssyncadd.s32 s8;
	_ =	sdelay $0x1  }
0xaa: {  	s24 =	simm.s32 $0x1B8B  }
0xab: {  	_ =	swait.ge [sflag:s24], $0x1  }
0xac: {  	[sflag:s24] =	ssyncset.done $0x0  }
0xad: {  	s25 =	simm.s32 $0x1B8E;
	[sflag:s24] =	ssyncadd.s32 $0xFFFFFFFF  }
0xae: {  	s26 =	simm.s32 $execute0_lowered;
	[smem:$0x3FD2] =	sst s25  }
0xaf: {  	s8 =	sshll.u32 s26, $0x1;
	_ =	strace $0x80000046;
	[dreg:$0x1] =	wrdreg $0xFFFFFFFF  }
0xb0: {  	s28 =	simm.s32 $_size_execute0_lowered;
	s7 =	sadd.s32 s7, s8;
	[dreg:$0x0] =	wrdreg $0x0  }
0xb1: {  	s8 =	sshll.u32 s28, $0x1;
	[dreg:$0x2] =	wrdreg s7  }
0xb2: {  	[dreg:$0x3] =	wrdreg s8  }
0xb3: {  	[dreg:$0x4] =	wrdreg $0xC0  }
0xb4: {  	_ =	task [dreg:s11], $0x5FFFF  }
0xb5: {  	[dreg:$0x1] =	wrdreg $0xFFFFFFFF  }
0xb6: {  	[dreg:$0x0] =	wrdreg $0x60  }
0xb7: {  	[dreg:$0x2] =	wrdreg s2  }
0xb8: {  	[dreg:$0x3] =	wrdreg s4  }
0xb9: {  	[dreg:$0x4] =	wrdreg s5  }
0xba: {  	[dreg:$0x5] =	wrdreg s6  }
0xbb: {  	[dreg:$0x6] =	wrdreg s17  }
0xbc: {  	[dreg:$0x7] =	wrdreg $0x9  }
0xbd: {  	_ =	task.clear_ibuf [dreg:s11], $0x8FFFF;
	_ =	strace $0x90000046  }
0xbe: {  	s29 =	simm.s32 $0x9;
	_ =	strace $0x80000048  }
0xbf: {  	_ =	swait.ge [sflag:s29], $0x1  }
0xc0: {  	[sflag:s29] =	ssyncadd.s32 $0xFFFFFFFF  }
0xc1: {  	_ =	strace $0x90000048  }
0xc2: {  	_ =	sfence  }
0xc3: {  	s30 =	sld [smem:$0x0];
	_ =	sdelay $0x2  }
0xc4: {  	s31 =	sshll.u32 s1, $0xD;
	s1 =	sshrl.u32 s1, $0x2  }
0xc5: {  	s3 =	sand.u32 $0x4000, s31;
	s1 =	sadd.s32 s1, s30  }
0xc6: {  	s0 =	sor.u32 s3, s0;
	s1 =	sshll.u32 s1, $0x11  }
0xc7: {  	s0 =	sor.u32 s1, s0  }
0xc8: {  	s0 =	sadd.s32 $0x8F2B, s0  }
0xc9: {  	[sflag:s0] =	ssyncadd.remote.s32 $0x1  }
0xca: {  	_ =	sfence.sel $0xFFFF  }
0xcb: {  	[dreg:$0x0] =	wrdreg $0xFFFFFFFF;
	(pc) =	sbr.abs _section_cstart, $3  }
0xcc: {  	[dreg:$0x1] =	wrdreg $0xFFFFFFFF  }
0xcd: {  	_ =	task.clear_ibuf [dreg:s11], $0x2FFFF;
	_ =	strace $0x9FFFFFFF  }
0xce: {  	(tm) =	ssettm $0x7FFFFFFF  }
0xcf: {  	_ =	shalt  }
tec
execute0_lowered:
.L_overlay_start_1:
0x0: {  	(tag) =	ssettag $0x1  }
0x1: {  	s0 =	rddreg [dreg:$0x0]  }
0x2: {  	s3 =	rddreg [dreg:$0x1]  }
0x3: {  	s1 =	rddreg [dreg:$0x2]  }
0x4: {  	s2 =	rddreg [dreg:$0x3]  }
0x5: {  	s5 =	rddreg [dreg:$0x4];
	s6 =	srdreg.scid  }
0x6: {  	s4 =	simm.s32 $0x0;
	s8 =	stileid.u32;
	s17 =	simm.s32 $0x1  }
0x7: {  	s29 =	simm.s32 $0xB100;
	s30 =	simm.s32 $0xB900;
	s31 =	simm.s32 $0xC100  }
0x8: {  	s18 =	simm.s32 $0x400;
	s6 =	sand.u32 $0x1, s6;
	[smem:$0x7FF] =	sst s4  }
0x9: {  	s8 =	sshll.u32 s8, $0x1;
	s13 =	sadd.s32 $0x10, s5;
	s5 =	sadd.s32 $0x20, s5  }
0xa: {  	s7 =	ssub.s32 $0x2, s6;
	_ =	strace $0x80000047;
	s6 =	sor.u32 s6, s8  }
0xb: {  	s9 =	sshrl.u32 s7, $0x1;
	s10 =	sshll.u32 s6, $0x9;
	s20 =	sshll.u32 s6, $0x6  }
0xc: {  	s6 =	sshll.u32 s6, $0x10;
	s9 =	ssub.s32 s7, s9;
	s21 =	sadd.s32 s0, s20  }
0xd: {  	s7 =	sadd.s32 s3, s20;
	s11 =	sor.u32 $0x80, s10;
	s8 =	sadd.s32 s6, s5  }
0xe: {  	s14 =	sor.u32 $0x100, s10;
	s25 =	sor.u32 $0x180, s10;
	[dreg:$0x6] =	wrdreg s21  }
0xf: {  	[dreg:$0x7] =	wrdreg s7;
	s7 =	sadd.s32 s6, s13;
	s22 =	sshrl.u32 s11, $0x3  }
0x10: {  	s23 =	sshll.u32 s11, $0x7;
	s24 =	sshrl.u32 s14, $0x3;
	s14 =	sshll.u32 s14, $0x7  }
0x11: {  	s10 =	sshrl.u32 s25, $0x3;
	s28 =	smax.u32 s9, $0x1;
	s9 =	simm.s32 $0xE900  }
0x12: {  	s21 =	simm.s32 $0x0;
	s12 =	sadd.s32 s0, s22;
	s6 =	sadd.s32 s3, s22  }
0x13: {  	s11 =	sadd.s32 s23, s13;
	s15 =	sadd.s32 s0, s24;
	[dreg:$0xe] =	wrdreg s28  }
0x14: {  	s16 =	sadd.s32 s14, s5;
	s0 =	sadd.s32 s0, s10;
	[dreg:$0x8] =	wrdreg s12  }
0x15: {  	s26 =	sadd.s32 s3, s10;
	s22 =	simm.s32 $0x3;
	[dreg:$0x9] =	wrdreg s6  }
0x16: {  	s10 =	simm.s32 $0xF100;
	s12 =	sadd.s32 s23, s5;
	[dreg:$0xa] =	wrdreg s15  }
0x17: {  	s6 =	sadd.s32 s3, s24;
	s15 =	sadd.s32 s14, s13;
	[dreg:$0xc] =	wrdreg s0  }
0x18: {  	[dreg:$0xd] =	wrdreg s26;
	s23 =	simm.s32 $0x80;
	s0 =	simm.s32 $0xC900  }
0x19: {  	v2 =	vlaneseq.u32;
	s3 =	simm.s32 $0xD100;
	[dreg:$0xb] =	wrdreg s6;
	s6 =	sshll.u32 s25, $0x7  }
0x1a: {  	vm0 =	vmmov $0xffff;
	v3 =	vshrl.u32 v2, $0x3;
	v0 =	vand.u32 $0x7, v2;
	s14 =	simm.s32 $0x2;
	s19 =	sadd.s32 s6, s13;
	s20 =	sadd.s32 s6, s5  }
0x1b: {  	v2 =	vor.u32 $0x8, v2;
	v1 =	vmul.u32 $0x2, v3;
	v3 =	vmul.u32 $0x8, v3;
	s5 =	simm.s32 $0xD900;
	s6 =	simm.s32 $0xE100;
	s13 =	simm.s32 $0xF900  }
.LBB2_1:
0x1c: {  	s24 =	rddreg [dreg:$0x6]  }
0x1d: {  	[tilespmem:s4], [sflag:$0x3] =	stream.linear.gather [hbm4b:s24+s4], $0x80, $0x38;
	[tilespmem:$0x10100] =	vst v63  }
0x1e: {  	_ =	swait.ge [sflag:s22], $0x80  }
0x1f: {  	[sflag:s22] =	ssyncset.done $0x0  }
0x20: {  	s25 =	rddreg [dreg:$0x7];
	[sflag:s22] =	ssyncadd.s32 $0xFFFFFF80  }
0x21: {  	[tilespmem:s23], [sflag:$0x3] =	stream.linear.gather [hbm4b:s25+s4], $0x80, $0x38;
	[tilespmem:$0x10100] =	vst v63  }
0x22: {  	_ =	swait.ge [sflag:s22], $0x80  }
0x23: {  	[sflag:s22] =	ssyncset.done $0x0  }
0x24: {  	[sflag:s22] =	ssyncadd.s32 $0xFFFFFF80  }
0x25: {  	v4 =	vld [tilespmem:$0x0];
	_ =	sdelay $0x4  }
0x26: {  	v5 =	vshll.u32 v4, $0x1  }
0x27: {  	v4 =	vand.u32 $0x1, v4;
	v5 =	vand.u32 $0xFFFFFFFC, v5  }
0x28: {  	v4 =	vor.u32 v4, v5  }
0x29: {  	v5 =	vperm.xlane v4, v0;
	_ =	sdelay $0x1  }
0x2a: {  	v4 =	vperm.xlane v4, v2;
	v5 =	vadd.s32 v1, v5;
	_ =	sdelay $0x1  }
0x2b: {  	v4 =	vadd.s32 v1, v4;
	_ =	sdelay $0x1  }
0x2c: {  	s24 =	simm.s32 $0x100  }
0x2d: {  	[tilespmem:s24], [sflag:$0x1] =	stream.indirect_vreg.gather [hbm4b:s1+s4], $0x80, v5, vm0, $0xb8;
	[tilespmem:$0x10100] =	vst v63  }
0x2e: {  	s25 =	simm.s32 $0x900  }
0x2f: {  	[tilespmem:s25], [sflag:$0x1] =	stream.indirect_vreg.gather [hbm4b:s1+s4], $0x80, v4, vm0, $0xb8;
	[tilespmem:$0x10100] =	vst v63  }
0x30: {  	v4 =	vld [tilespmem:$0x10];
	_ =	sdelay $0x4  }
0x31: {  	v5 =	vshll.u32 v4, $0x1  }
0x32: {  	v4 =	vand.u32 $0x1, v4;
	v5 =	vand.u32 $0xFFFFFFFC, v5  }
0x33: {  	v4 =	vor.u32 v4, v5  }
0x34: {  	v5 =	vperm.xlane v4, v0;
	_ =	sdelay $0x1  }
0x35: {  	v4 =	vperm.xlane v4, v2;
	v5 =	vadd.s32 v1, v5;
	_ =	sdelay $0x1  }
0x36: {  	v4 =	vadd.s32 v1, v4;
	_ =	sdelay $0x1  }
0x37: {  	s26 =	simm.s32 $0x1100  }
0x38: {  	[tilespmem:s26], [sflag:$0x1] =	stream.indirect_vreg.gather [hbm4b:s1+s4], $0x80, v5, vm0, $0xb8;
	[tilespmem:$0x10100] =	vst v63  }
0x39: {  	s26 =	simm.s32 $0x1900  }
0x3a: {  	[tilespmem:s26], [sflag:$0x1] =	stream.indirect_vreg.gather [hbm4b:s1+s4], $0x80, v4, vm0, $0xb8;
	[tilespmem:$0x10100] =	vst v63  }
0x3b: {  	v4 =	vld [tilespmem:$0x20];
	_ =	sdelay $0x4  }
0x3c: {  	v5 =	vshll.u32 v4, $0x1  }
0x3d: {  	v4 =	vand.u32 $0x1, v4;
	v5 =	vand.u32 $0xFFFFFFFC, v5  }
0x3e: {  	v4 =	vor.u32 v4, v5  }
0x3f: {  	v5 =	vperm.xlane v4, v0;
	_ =	sdelay $0x1  }
0x40: {  	v4 =	vperm.xlane v4, v2;
	v5 =	vadd.s32 v1, v5;
	_ =	sdelay $0x1  }
0x41: {  	v4 =	vadd.s32 v1, v4;
	_ =	sdelay $0x1  }
0x42: {  	s26 =	simm.s32 $0x2100  }
0x43: {  	[tilespmem:s26], [sflag:$0x1] =	stream.indirect_vreg.gather [hbm4b:s1+s4], $0x80, v5, vm0, $0xb8;
	[tilespmem:$0x10100] =	vst v63  }
0x44: {  	s26 =	simm.s32 $0x2900  }
0x45: {  	[tilespmem:s26], [sflag:$0x1] =	stream.indirect_vreg.gather [hbm4b:s1+s4], $0x80, v4, vm0, $0xb8;
	[tilespmem:$0x10100] =	vst v63  }
0x46: {  	v4 =	vld [tilespmem:$0x30];
	_ =	sdelay $0x4  }
0x47: {  	v5 =	vshll.u32 v4, $0x1  }
0x48: {  	v4 =	vand.u32 $0x1, v4;
	v5 =	vand.u32 $0xFFFFFFFC, v5  }
0x49: {  	v4 =	vor.u32 v4, v5  }
0x4a: {  	v5 =	vperm.xlane v4, v0;
	_ =	sdelay $0x1  }
0x4b: {  	v4 =	vperm.xlane v4, v2;
	v5 =	vadd.s32 v1, v5;
	_ =	sdelay $0x1  }
0x4c: {  	v4 =	vadd.s32 v1, v4;
	_ =	sdelay $0x1  }
0x4d: {  	s26 =	simm.s32 $0x3100  }
0x4e: {  	[tilespmem:s26], [sflag:$0x1] =	stream.indirect_vreg.gather [hbm4b:s1+s4], $0x80, v5, vm0, $0xb8;
	[tilespmem:$0x10100] =	vst v63  }
0x4f: {  	s26 =	simm.s32 $0x3900  }
0x50: {  	[tilespmem:s26], [sflag:$0x1] =	stream.indirect_vreg.gather [hbm4b:s1+s4], $0x80, v4, vm0, $0xb8;
	[tilespmem:$0x10100] =	vst v63  }
0x51: {  	v4 =	vld [tilespmem:$0x40];
	_ =	sdelay $0x4  }
0x52: {  	v5 =	vshll.u32 v4, $0x1  }
0x53: {  	v4 =	vand.u32 $0x1, v4;
	v5 =	vand.u32 $0xFFFFFFFC, v5  }
0x54: {  	v4 =	vor.u32 v4, v5  }
0x55: {  	v5 =	vperm.xlane v4, v0;
	_ =	sdelay $0x1  }
0x56: {  	v4 =	vperm.xlane v4, v2;
	v5 =	vadd.s32 v1, v5;
	_ =	sdelay $0x1  }
0x57: {  	v4 =	vadd.s32 v1, v4;
	_ =	sdelay $0x1  }
0x58: {  	s26 =	simm.s32 $0x4100  }
0x59: {  	[tilespmem:s26], [sflag:$0x1] =	stream.indirect_vreg.gather [hbm4b:s1+s4], $0x80, v5, vm0, $0xb8;
	[tilespmem:$0x10100] =	vst v63  }
0x5a: {  	s26 =	simm.s32 $0x4900  }
0x5b: {  	[tilespmem:s26], [sflag:$0x1] =	stream.indirect_vreg.gather [hbm4b:s1+s4], $0x80, v4, vm0, $0xb8;
	[tilespmem:$0x10100] =	vst v63  }
0x5c: {  	v4 =	vld [tilespmem:$0x50];
	_ =	sdelay $0x4  }
0x5d: {  	v5 =	vshll.u32 v4, $0x1  }
0x5e: {  	v4 =	vand.u32 $0x1, v4;
	v5 =	vand.u32 $0xFFFFFFFC, v5  }
0x5f: {  	v4 =	vor.u32 v4, v5  }
0x60: {  	v5 =	vperm.xlane v4, v0;
	_ =	sdelay $0x1  }
0x61: {  	v4 =	vperm.xlane v4, v2;
	v5 =	vadd.s32 v1, v5;
	_ =	sdelay $0x1  }
0x62: {  	v4 =	vadd.s32 v1, v4;
	_ =	sdelay $0x1  }
0x63: {  	s26 =	simm.s32 $0x5100  }
0x64: {  	[tilespmem:s26], [sflag:$0x1] =	stream.indirect_vreg.gather [hbm4b:s1+s4], $0x80, v5, vm0, $0xb8;
	[tilespmem:$0x10100] =	vst v63  }
0x65: {  	s26 =	simm.s32 $0x5900  }
0x66: {  	[tilespmem:s26], [sflag:$0x1] =	stream.indirect_vreg.gather [hbm4b:s1+s4], $0x80, v4, vm0, $0xb8;
	[tilespmem:$0x10100] =	vst v63  }
0x67: {  	v4 =	vld [tilespmem:$0x60];
	_ =	sdelay $0x4  }
0x68: {  	v5 =	vshll.u32 v4, $0x1  }
0x69: {  	v4 =	vand.u32 $0x1, v4;
	v5 =	vand.u32 $0xFFFFFFFC, v5  }
0x6a: {  	v4 =	vor.u32 v4, v5  }
0x6b: {  	v5 =	vperm.xlane v4, v0;
	_ =	sdelay $0x1  }
0x6c: {  	v4 =	vperm.xlane v4, v2;
	v5 =	vadd.s32 v1, v5;
	_ =	sdelay $0x1  }
0x6d: {  	v4 =	vadd.s32 v1, v4;
	_ =	sdelay $0x1  }
0x6e: {  	s26 =	simm.s32 $0x6100  }
0x6f: {  	[tilespmem:s26], [sflag:$0x1] =	stream.indirect_vreg.gather [hbm4b:s1+s4], $0x80, v5, vm0, $0xb8;
	[tilespmem:$0x10100] =	vst v63  }
0x70: {  	s26 =	simm.s32 $0x6900  }
0x71: {  	[tilespmem:s26], [sflag:$0x1] =	stream.indirect_vreg.gather [hbm4b:s1+s4], $0x80, v4, vm0, $0xb8;
	[tilespmem:$0x10100] =	vst v63  }
0x72: {  	v4 =	vld [tilespmem:$0x70];
	_ =	sdelay $0x4  }
0x73: {  	v5 =	vshll.u32 v4, $0x1  }
0x74: {  	v4 =	vand.u32 $0x1, v4;
	v5 =	vand.u32 $0xFFFFFFFC, v5  }
0x75: {  	v4 =	vor.u32 v4, v5  }
0x76: {  	v5 =	vperm.xlane v4, v0;
	_ =	sdelay $0x1  }
0x77: {  	v4 =	vperm.xlane v4, v2;
	v5 =	vadd.s32 v1, v5;
	_ =	sdelay $0x1  }
0x78: {  	v4 =	vadd.s32 v1, v4;
	_ =	sdelay $0x1  }
0x79: {  	s26 =	simm.s32 $0x7100  }
0x7a: {  	[tilespmem:s26], [sflag:$0x1] =	stream.indirect_vreg.gather [hbm4b:s1+s4], $0x80, v5, vm0, $0xb8;
	[tilespmem:$0x10100] =	vst v63  }
0x7b: {  	s26 =	simm.s32 $0x7900  }
0x7c: {  	[tilespmem:s26], [sflag:$0x1] =	stream.indirect_vreg.gather [hbm4b:s1+s4], $0x80, v4, vm0, $0xb8;
	[tilespmem:$0x10100] =	vst v63  }
0x7d: {  	_ =	swait.ge [sflag:s17], $0x8000  }
0x7e: {  	[sflag:s17] =	ssyncset.done $0x0  }
0x7f: {  	[sflag:s17] =	ssyncadd.s32 $0xFFFF8000  }
0x80: {  	v4 =	vld [tilespmem:$0x80];
	_ =	sdelay $0x4  }
0x81: {  	v5 =	vshll.u32 v4, $0x1  }
0x82: {  	v4 =	vand.u32 $0x7, v4;
	v5 =	vand.u32 $0xFFFFFFF0, v5  }
0x83: {  	v4 =	vor.u32 v4, v5  }
0x84: {  	v5 =	vperm.xlane v4, v0;
	_ =	sdelay $0x1  }
0x85: {  	v4 =	vperm.xlane v4, v2;
	v5 =	vadd.s32 v3, v5;
	_ =	sdelay $0x1  }
0x86: {  	v4 =	vadd.s32 v3, v4;
	_ =	sdelay $0x1  }
0x87: {  	s26 =	simm.s32 $0x8100  }
0x88: {  	[tilespmem:s26], [sflag:$0x2] =	stream.indirect_vreg.gather [hbm4b:s2+s4], $0x80, v5, vm0, $0xb8;
	[tilespmem:$0x10100] =	vst v63  }
0x89: {  	s26 =	simm.s32 $0x8900  }
0x8a: {  	[tilespmem:s26], [sflag:$0x2] =	stream.indirect_vreg.gather [hbm4b:s2+s4], $0x80, v4, vm0, $0xb8;
	[tilespmem:$0x10100] =	vst v63  }
0x8b: {  	v4 =	vld [tilespmem:$0x90];
	_ =	sdelay $0x4  }
0x8c: {  	v5 =	vshll.u32 v4, $0x1  }
0x8d: {  	v4 =	vand.u32 $0x7, v4;
	v5 =	vand.u32 $0xFFFFFFF0, v5  }
0x8e: {  	v4 =	vor.u32 v4, v5  }
0x8f: {  	v5 =	vperm.xlane v4, v0;
	_ =	sdelay $0x1  }
0x90: {  	v4 =	vperm.xlane v4, v2;
	v5 =	vadd.s32 v3, v5;
	_ =	sdelay $0x1  }
0x91: {  	v4 =	vadd.s32 v3, v4;
	_ =	sdelay $0x1  }
0x92: {  	s26 =	simm.s32 $0x9100  }
0x93: {  	[tilespmem:s26], [sflag:$0x2] =	stream.indirect_vreg.gather [hbm4b:s2+s4], $0x80, v5, vm0, $0xb8;
	[tilespmem:$0x10100] =	vst v63  }
0x94: {  	s26 =	simm.s32 $0x9900  }
0x95: {  	[tilespmem:s26], [sflag:$0x2] =	stream.indirect_vreg.gather [hbm4b:s2+s4], $0x80, v4, vm0, $0xb8;
	[tilespmem:$0x10100] =	vst v63  }
0x96: {  	v4 =	vld [tilespmem:$0xA0];
	_ =	sdelay $0x4  }
0x97: {  	v5 =	vshll.u32 v4, $0x1  }
0x98: {  	v4 =	vand.u32 $0x7, v4;
	v5 =	vand.u32 $0xFFFFFFF0, v5  }
0x99: {  	v4 =	vor.u32 v4, v5  }
0x9a: {  	v5 =	vperm.xlane v4, v0;
	_ =	sdelay $0x1  }
0x9b: {  	v4 =	vperm.xlane v4, v2;
	v5 =	vadd.s32 v3, v5;
	_ =	sdelay $0x1  }
0x9c: {  	v4 =	vadd.s32 v3, v4;
	_ =	sdelay $0x1  }
0x9d: {  	s26 =	simm.s32 $0xA100  }
0x9e: {  	[tilespmem:s26], [sflag:$0x2] =	stream.indirect_vreg.gather [hbm4b:s2+s4], $0x80, v5, vm0, $0xb8;
	[tilespmem:$0x10100] =	vst v63  }
0x9f: {  	s26 =	simm.s32 $0xA900  }
0xa0: {  	[tilespmem:s26], [sflag:$0x2] =	stream.indirect_vreg.gather [hbm4b:s2+s4], $0x80, v4, vm0, $0xb8;
	[tilespmem:$0x10100] =	vst v63  }
0xa1: {  	v4 =	vld [tilespmem:$0xB0];
	_ =	sdelay $0x4  }
0xa2: {  	v5 =	vshll.u32 v4, $0x1  }
0xa3: {  	v4 =	vand.u32 $0x7, v4;
	v5 =	vand.u32 $0xFFFFFFF0, v5  }
0xa4: {  	v4 =	vor.u32 v4, v5  }
0xa5: {  	v5 =	vperm.xlane v4, v0;
	_ =	sdelay $0x1  }
0xa6: {  	v4 =	vperm.xlane v4, v2;
	v5 =	vadd.s32 v3, v5;
	_ =	sdelay $0x1  }
0xa7: {  	v4 =	vadd.s32 v3, v4;
	_ =	sdelay $0x2  }
0xa8: {  	[tilespmem:s29], [sflag:$0x2] =	stream.indirect_vreg.gather [hbm4b:s2+s4], $0x80, v5, vm0, $0xb8;
	[tilespmem:$0x10100] =	vst v63  }
0xa9: {  	_ = 	snop  }
0xaa: {  	[tilespmem:s30], [sflag:$0x2] =	stream.indirect_vreg.gather [hbm4b:s2+s4], $0x80, v4, vm0, $0xb8;
	[tilespmem:$0x10100] =	vst v63  }
0xab: {  	v4 =	vld [tilespmem:$0xC0];
	_ =	sdelay $0x4  }
0xac: {  	v5 =	vshll.u32 v4, $0x1  }
0xad: {  	v4 =	vand.u32 $0x7, v4;
	v5 =	vand.u32 $0xFFFFFFF0, v5  }
0xae: {  	v4 =	vor.u32 v4, v5  }
0xaf: {  	v5 =	vperm.xlane v4, v0;
	_ =	sdelay $0x1  }
0xb0: {  	v4 =	vperm.xlane v4, v2;
	v5 =	vadd.s32 v3, v5;
	_ =	sdelay $0x1  }
0xb1: {  	v4 =	vadd.s32 v3, v4;
	_ =	sdelay $0x2  }
0xb2: {  	[tilespmem:s31], [sflag:$0x2] =	stream.indirect_vreg.gather [hbm4b:s2+s4], $0x80, v5, vm0, $0xb8;
	[tilespmem:$0x10100] =	vst v63  }
0xb3: {  	_ = 	snop  }
0xb4: {  	[tilespmem:s0], [sflag:$0x2] =	stream.indirect_vreg.gather [hbm4b:s2+s4], $0x80, v4, vm0, $0xb8;
	[tilespmem:$0x10100] =	vst v63  }
0xb5: {  	v4 =	vld [tilespmem:$0xD0];
	_ =	sdelay $0x4  }
0xb6: {  	v5 =	vshll.u32 v4, $0x1  }
0xb7: {  	v4 =	vand.u32 $0x7, v4;
	v5 =	vand.u32 $0xFFFFFFF0, v5  }
0xb8: {  	v4 =	vor.u32 v4, v5  }
0xb9: {  	v5 =	vperm.xlane v4, v0;
	_ =	sdelay $0x1  }
0xba: {  	v4 =	vperm.xlane v4, v2;
	v5 =	vadd.s32 v3, v5;
	_ =	sdelay $0x1  }
0xbb: {  	v4 =	vadd.s32 v3, v4;
	_ =	sdelay $0x2  }
0xbc: {  	[tilespmem:s3], [sflag:$0x2] =	stream.indirect_vreg.gather [hbm4b:s2+s4], $0x80, v5, vm0, $0xb8;
	[tilespmem:$0x10100] =	vst v63  }
0xbd: {  	_ = 	snop  }
0xbe: {  	[tilespmem:s5], [sflag:$0x2] =	stream.indirect_vreg.gather [hbm4b:s2+s4], $0x80, v4, vm0, $0xb8;
	[tilespmem:$0x10100] =	vst v63  }
0xbf: {  	v4 =	vld [tilespmem:$0xE0];
	_ =	sdelay $0x4  }
0xc0: {  	v5 =	vshll.u32 v4, $0x1  }
0xc1: {  	v4 =	vand.u32 $0x7, v4;
	v5 =	vand.u32 $0xFFFFFFF0, v5  }
0xc2: {  	v4 =	vor.u32 v4, v5  }
0xc3: {  	v5 =	vperm.xlane v4, v0;
	_ =	sdelay $0x1  }
0xc4: {  	v4 =	vperm.xlane v4, v2;
	v5 =	vadd.s32 v3, v5;
	_ =	sdelay $0x1  }
0xc5: {  	v4 =	vadd.s32 v3, v4;
	_ =	sdelay $0x2  }
0xc6: {  	[tilespmem:s6], [sflag:$0x2] =	stream.indirect_vreg.gather [hbm4b:s2+s4], $0x80, v5, vm0, $0xb8;
	[tilespmem:$0x10100] =	vst v63  }
0xc7: {  	_ = 	snop  }
0xc8: {  	[tilespmem:s9], [sflag:$0x2] =	stream.indirect_vreg.gather [hbm4b:s2+s4], $0x80, v4, vm0, $0xb8;
	[tilespmem:$0x10100] =	vst v63  }
0xc9: {  	v4 =	vld [tilespmem:$0xF0];
	_ =	sdelay $0x4  }
0xca: {  	v5 =	vshll.u32 v4, $0x1  }
0xcb: {  	v4 =	vand.u32 $0x7, v4;
	v5 =	vand.u32 $0xFFFFFFF0, v5  }
0xcc: {  	v4 =	vor.u32 v4, v5  }
0xcd: {  	v5 =	vperm.xlane v4, v0;
	_ =	sdelay $0x1  }
0xce: {  	v4 =	vperm.xlane v4, v2;
	v5 =	vadd.s32 v3, v5;
	_ =	sdelay $0x1  }
0xcf: {  	v4 =	vadd.s32 v3, v4;
	_ =	sdelay $0x2  }
0xd0: {  	[tilespmem:s10], [sflag:$0x2] =	stream.indirect_vreg.gather [hbm4b:s2+s4], $0x80, v5, vm0, $0xb8;
	[tilespmem:$0x10100] =	vst v63  }
0xd1: {  	_ = 	snop  }
0xd2: {  	[tilespmem:s13], [sflag:$0x2] =	stream.indirect_vreg.gather [hbm4b:s2+s4], $0x80, v4, vm0, $0xb8;
	[tilespmem:$0x10100] =	vst v63  }
0xd3: {  	_ =	swait.ge [sflag:s14], $0x8000  }
0xd4: {  	s25 =	sadd.s32 $0x0, s7;
	[sflag:s14] =	ssyncset.done $0x0  }
0xd5: {  	s28 =	sadd.s32 $0x40, s25;
	[sflag:s14] =	ssyncadd.s32 $0xFFFF8000  }
0xd6: {  	[hbm4b:s25+s23] =	stream.strided.scatter [tilespmem:s24], [sflag:$0x3], $0x400, s18, s23, $0x38;
	[tilespmem:$0x10100] =	vst v63  }
0xd7: {  	s26 =	simm.s32 $0x500;
	s24 =	simm.s32 $0x400;
	s25 =	simm.s32 $0x900  }
.LBB2_2:
0xd8: {  	[hbm4b:s28+s23] =	stream.strided.scatter [tilespmem:s26], [sflag:$0x3], $0x400, s18, s23, $0x38;
	[tilespmem:$0x10100] =	vst v63  }
0xd9: {  	s26 =	smov.u32 s24;
	p0 =	sne.s32 s24, $0x3C00  }
.Ltmp0:
0xda: {  	s24 =	sadd.s32 $0x400, s24;
	(pc) =	sbr.rel @p0 .LBB2_2-.Ltmp0, $4  }
0xdb: {  	_ = 	snop  }
0xdc: {  	s28 =	sadd.s32 s26, s7  }
0xdd: {  	[hbm4b:s28+s23] =	stream.strided.scatter [tilespmem:s25], [sflag:$0x3], $0x400, s18, s23, $0x38;
	[tilespmem:$0x10100] =	vst v63  }
0xde: {  	s26 =	sadd.s32 $0x400, s25;
	s28 =	sadd.s32 $0x40, s28;
	s25 =	sadd.s32 $0x800, s25  }
0xdf: {  	[hbm4b:s28+s23] =	stream.strided.scatter [tilespmem:s26], [sflag:$0x3], $0x400, s18, s23, $0x38;
	[tilespmem:$0x10100] =	vst v63  }
0xe0: {  	_ =	swait.ge [sflag:s22], $0x8000  }
0xe1: {  	s24 =	simm.s32 $0x8100;
	[sflag:s22] =	ssyncset.done $0x0  }
0xe2: {  	s25 =	sadd.s32 $0x0, s8;
	s26 =	simm.s32 $0x8500;
	[sflag:s22] =	ssyncadd.s32 $0xFFFF8000  }
0xe3: {  	[hbm4b:s25+s23] =	stream.strided.scatter [tilespmem:s24], [sflag:$0x3], $0x400, s18, s23, $0x38;
	[tilespmem:$0x10100] =	vst v63  }
0xe4: {  	s28 =	sadd.s32 $0x40, s25;
	s24 =	simm.s32 $0x400;
	s25 =	simm.s32 $0x8900  }
.LBB2_4:
0xe5: {  	[hbm4b:s28+s23] =	stream.strided.scatter [tilespmem:s26], [sflag:$0x3], $0x400, s18, s23, $0x38;
	[tilespmem:$0x10100] =	vst v63  }
0xe6: {  	s26 =	smov.u32 s24;
	p0 =	sne.s32 s24, $0x3C00  }
.Ltmp1:
0xe7: {  	s24 =	sadd.s32 $0x400, s24;
	(pc) =	sbr.rel @p0 .LBB2_4-.Ltmp1, $4  }
0xe8: {  	_ = 	snop  }
0xe9: {  	s28 =	sadd.s32 s26, s8  }
0xea: {  	[hbm4b:s28+s23] =	stream.strided.scatter [tilespmem:s25], [sflag:$0x3], $0x400, s18, s23, $0x38;
	[tilespmem:$0x10100] =	vst v63  }
0xeb: {  	s26 =	sadd.s32 $0x400, s25;
	s28 =	sadd.s32 $0x40, s28;
	s25 =	sadd.s32 $0x800, s25  }
0xec: {  	[hbm4b:s28+s23] =	stream.strided.scatter [tilespmem:s26], [sflag:$0x3], $0x400, s18, s23, $0x38;
	[tilespmem:$0x10100] =	vst v63  }
0xed: {  	_ =	swait.ge [sflag:s22], $0x8000  }
0xee: {  	[sflag:s22] =	ssyncset.done $0x0  }
0xef: {  	s24 =	simm.s32 $0x0;
	s25 =	rddreg [dreg:$0x8];
	[sflag:s22] =	ssyncadd.s32 $0xFFFF8000  }
0xf0: {  	[tilespmem:s24], [sflag:$0x3] =	stream.linear.gather [hbm4b:s25+s24], $0x80, $0x38;
	[tilespmem:$0x10100] =	vst v63  }
0xf1: {  	_ =	swait.ge [sflag:s22], $0x80  }
0xf2: {  	[sflag:s22] =	ssyncset.done $0x0  }
0xf3: {  	s26 =	rddreg [dreg:$0x9];
	[sflag:s22] =	ssyncadd.s32 $0xFFFFFF80  }
0xf4: {  	[tilespmem:s23], [sflag:$0x3] =	stream.linear.gather [hbm4b:s26+s24], $0x80, $0x38;
	[tilespmem:$0x10100] =	vst v63  }
0xf5: {  	_ =	swait.ge [sflag:s22], $0x80  }
0xf6: {  	[sflag:s22] =	ssyncset.done $0x0  }
0xf7: {  	[sflag:s22] =	ssyncadd.s32 $0xFFFFFF80  }
0xf8: {  	v4 =	vld [tilespmem:$0x0];
	_ =	sdelay $0x4  }
0xf9: {  	v5 =	vshll.u32 v4, $0x1  }
0xfa: {  	v4 =	vand.u32 $0x1, v4;
	v5 =	vand.u32 $0xFFFFFFFC, v5  }
0xfb: {  	v4 =	vor.u32 v4, v5  }
0xfc: {  	v5 =	vperm.xlane v4, v0;
	_ =	sdelay $0x1  }
0xfd: {  	v4 =	vperm.xlane v4, v2;
	v5 =	vadd.s32 v1, v5;
	_ =	sdelay $0x1  }
0xfe: {  	v4 =	vadd.s32 v1, v4;
	_ =	sdelay $0x1  }
0xff: {  	s25 =	simm.s32 $0x100  }
0x100: {  	[tilespmem:s25], [sflag:$0x1] =	stream.indirect_vreg.gather [hbm4b:s1+s24], $0x80, v5, vm0, $0xb8;
	[tilespmem:$0x10100] =	vst v63  }
0x101: {  	s26 =	simm.s32 $0x900  }
0x102: {  	[tilespmem:s26], [sflag:$0x1] =	stream.indirect_vreg.gather [hbm4b:s1+s24], $0x80, v4, vm0, $0xb8;
	[tilespmem:$0x10100] =	vst v63  }
0x103: {  	v4 =	vld [tilespmem:$0x10];
	_ =	sdelay $0x4  }
0x104: {  	v5 =	vshll.u32 v4, $0x1  }
0x105: {  	v4 =	vand.u32 $0x1, v4;
	v5 =	vand.u32 $0xFFFFFFFC, v5  }
0x106: {  	v4 =	vor.u32 v4, v5  }
0x107: {  	v5 =	vperm.xlane v4, v0;
	_ =	sdelay $0x1  }
0x108: {  	v4 =	vperm.xlane v4, v2;
	v5 =	vadd.s32 v1, v5;
	_ =	sdelay $0x1  }
0x109: {  	v4 =	vadd.s32 v1, v4;
	_ =	sdelay $0x1  }
0x10a: {  	s26 =	simm.s32 $0x1100  }
0x10b: {  	[tilespmem:s26], [sflag:$0x1] =	stream.indirect_vreg.gather [hbm4b:s1+s24], $0x80, v5, vm0, $0xb8;
	[tilespmem:$0x10100] =	vst v63  }
0x10c: {  	s26 =	simm.s32 $0x1900  }
0x10d: {  	[tilespmem:s26], [sflag:$0x1] =	stream.indirect_vreg.gather [hbm4b:s1+s24], $0x80, v4, vm0, $0xb8;
	[tilespmem:$0x10100] =	vst v63  }
0x10e: {  	v4 =	vld [tilespmem:$0x20];
	_ =	sdelay $0x4  }
0x10f: {  	v5 =	vshll.u32 v4, $0x1  }
0x110: {  	v4 =	vand.u32 $0x1, v4;
	v5 =	vand.u32 $0xFFFFFFFC, v5  }
0x111: {  	v4 =	vor.u32 v4, v5  }
0x112: {  	v5 =	vperm.xlane v4, v0;
	_ =	sdelay $0x1  }
0x113: {  	v4 =	vperm.xlane v4, v2;
	v5 =	vadd.s32 v1, v5;
	_ =	sdelay $0x1  }
0x114: {  	v4 =	vadd.s32 v1, v4;
	_ =	sdelay $0x1  }
0x115: {  	s26 =	simm.s32 $0x2100  }
0x116: {  	[tilespmem:s26], [sflag:$0x1] =	stream.indirect_vreg.gather [hbm4b:s1+s24], $0x80, v5, vm0, $0xb8;
	[tilespmem:$0x10100] =	vst v63  }
0x117: {  	s26 =	simm.s32 $0x2900  }
0x118: {  	[tilespmem:s26], [sflag:$0x1] =	stream.indirect_vreg.gather [hbm4b:s1+s24], $0x80, v4, vm0, $0xb8;
	[tilespmem:$0x10100] =	vst v63  }
0x119: {  	v4 =	vld [tilespmem:$0x30];
	_ =	sdelay $0x4  }
0x11a: {  	v5 =	vshll.u32 v4, $0x1  }
0x11b: {  	v4 =	vand.u32 $0x1, v4;
	v5 =	vand.u32 $0xFFFFFFFC, v5  }
0x11c: {  	v4 =	vor.u32 v4, v5  }
0x11d: {  	v5 =	vperm.xlane v4, v0;
	_ =	sdelay $0x1  }
0x11e: {  	v4 =	vperm.xlane v4, v2;
	v5 =	vadd.s32 v1, v5;
	_ =	sdelay $0x1  }
0x11f: {  	v4 =	vadd.s32 v1, v4;
	_ =	sdelay $0x1  }
0x120: {  	s26 =	simm.s32 $0x3100  }
0x121: {  	[tilespmem:s26], [sflag:$0x1] =	stream.indirect_vreg.gather [hbm4b:s1+s24], $0x80, v5, vm0, $0xb8;
	[tilespmem:$0x10100] =	vst v63  }
0x122: {  	s26 =	simm.s32 $0x3900  }
0x123: {  	[tilespmem:s26], [sflag:$0x1] =	stream.indirect_vreg.gather [hbm4b:s1+s24], $0x80, v4, vm0, $0xb8;
	[tilespmem:$0x10100] =	vst v63  }
0x124: {  	v4 =	vld [tilespmem:$0x40];
	_ =	sdelay $0x4  }
0x125: {  	v5 =	vshll.u32 v4, $0x1  }
0x126: {  	v4 =	vand.u32 $0x1, v4;
	v5 =	vand.u32 $0xFFFFFFFC, v5  }
0x127: {  	v4 =	vor.u32 v4, v5  }
0x128: {  	v5 =	vperm.xlane v4, v0;
	_ =	sdelay $0x1  }
0x129: {  	v4 =	vperm.xlane v4, v2;
	v5 =	vadd.s32 v1, v5;
	_ =	sdelay $0x1  }
0x12a: {  	v4 =	vadd.s32 v1, v4;
	_ =	sdelay $0x1  }
0x12b: {  	s26 =	simm.s32 $0x4100  }
0x12c: {  	[tilespmem:s26], [sflag:$0x1] =	stream.indirect_vreg.gather [hbm4b:s1+s24], $0x80, v5, vm0, $0xb8;
	[tilespmem:$0x10100] =	vst v63  }
0x12d: {  	s26 =	simm.s32 $0x4900  }
0x12e: {  	[tilespmem:s26], [sflag:$0x1] =	stream.indirect_vreg.gather [hbm4b:s1+s24], $0x80, v4, vm0, $0xb8;
	[tilespmem:$0x10100] =	vst v63  }
0x12f: {  	v4 =	vld [tilespmem:$0x50];
	_ =	sdelay $0x4  }
0x130: {  	v5 =	vshll.u32 v4, $0x1  }
0x131: {  	v4 =	vand.u32 $0x1, v4;
	v5 =	vand.u32 $0xFFFFFFFC, v5  }
0x132: {  	v4 =	vor.u32 v4, v5  }
0x133: {  	v5 =	vperm.xlane v4, v0;
	_ =	sdelay $0x1  }
0x134: {  	v4 =	vperm.xlane v4, v2;
	v5 =	vadd.s32 v1, v5;
	_ =	sdelay $0x1  }
0x135: {  	v4 =	vadd.s32 v1, v4;
	_ =	sdelay $0x1  }
0x136: {  	s26 =	simm.s32 $0x5100  }
0x137: {  	[tilespmem:s26], [sflag:$0x1] =	stream.indirect_vreg.gather [hbm4b:s1+s24], $0x80, v5, vm0, $0xb8;
	[tilespmem:$0x10100] =	vst v63  }
0x138: {  	s26 =	simm.s32 $0x5900  }
0x139: {  	[tilespmem:s26], [sflag:$0x1] =	stream.indirect_vreg.gather [hbm4b:s1+s24], $0x80, v4, vm0, $0xb8;
	[tilespmem:$0x10100] =	vst v63  }
0x13a: {  	v4 =	vld [tilespmem:$0x60];
	_ =	sdelay $0x4  }
0x13b: {  	v5 =	vshll.u32 v4, $0x1  }
0x13c: {  	v4 =	vand.u32 $0x1, v4;
	v5 =	vand.u32 $0xFFFFFFFC, v5  }
0x13d: {  	v4 =	vor.u32 v4, v5  }
0x13e: {  	v5 =	vperm.xlane v4, v0;
	_ =	sdelay $0x1  }
0x13f: {  	v4 =	vperm.xlane v4, v2;
	v5 =	vadd.s32 v1, v5;
	_ =	sdelay $0x1  }
0x140: {  	v4 =	vadd.s32 v1, v4;
	_ =	sdelay $0x1  }
0x141: {  	s26 =	simm.s32 $0x6100  }
0x142: {  	[tilespmem:s26], [sflag:$0x1] =	stream.indirect_vreg.gather [hbm4b:s1+s24], $0x80, v5, vm0, $0xb8;
	[tilespmem:$0x10100] =	vst v63  }
0x143: {  	s26 =	simm.s32 $0x6900  }
0x144: {  	[tilespmem:s26], [sflag:$0x1] =	stream.indirect_vreg.gather [hbm4b:s1+s24], $0x80, v4, vm0, $0xb8;
	[tilespmem:$0x10100] =	vst v63  }
0x145: {  	v4 =	vld [tilespmem:$0x70];
	_ =	sdelay $0x4  }
0x146: {  	v5 =	vshll.u32 v4, $0x1  }
0x147: {  	v4 =	vand.u32 $0x1, v4;
	v5 =	vand.u32 $0xFFFFFFFC, v5  }
0x148: {  	v4 =	vor.u32 v4, v5  }
0x149: {  	v5 =	vperm.xlane v4, v0;
	_ =	sdelay $0x1  }
0x14a: {  	v4 =	vperm.xlane v4, v2;
	v5 =	vadd.s32 v1, v5;
	_ =	sdelay $0x1  }
0x14b: {  	v4 =	vadd.s32 v1, v4;
	_ =	sdelay $0x1  }
0x14c: {  	s26 =	simm.s32 $0x7100  }
0x14d: {  	[tilespmem:s26], [sflag:$0x1] =	stream.indirect_vreg.gather [hbm4b:s1+s24], $0x80, v5, vm0, $0xb8;
	[tilespmem:$0x10100] =	vst v63  }
0x14e: {  	s26 =	simm.s32 $0x7900  }
0x14f: {  	[tilespmem:s26], [sflag:$0x1] =	stream.indirect_vreg.gather [hbm4b:s1+s24], $0x80, v4, vm0, $0xb8;
	[tilespmem:$0x10100] =	vst v63  }
0x150: {  	_ =	swait.ge [sflag:s17], $0x8000  }
0x151: {  	[sflag:s17] =	ssyncset.done $0x0  }
0x152: {  	[sflag:s17] =	ssyncadd.s32 $0xFFFF8000  }
0x153: {  	v4 =	vld [tilespmem:$0x80];
	_ =	sdelay $0x4  }
0x154: {  	v5 =	vshll.u32 v4, $0x1  }
0x155: {  	v4 =	vand.u32 $0x7, v4;
	v5 =	vand.u32 $0xFFFFFFF0, v5  }
0x156: {  	v4 =	vor.u32 v4, v5  }
0x157: {  	v5 =	vperm.xlane v4, v0;
	_ =	sdelay $0x1  }
0x158: {  	v4 =	vperm.xlane v4, v2;
	v5 =	vadd.s32 v3, v5;
	_ =	sdelay $0x1  }
0x159: {  	v4 =	vadd.s32 v3, v4;
	_ =	sdelay $0x1  }
0x15a: {  	s26 =	simm.s32 $0x8100  }
0x15b: {  	[tilespmem:s26], [sflag:$0x2] =	stream.indirect_vreg.gather [hbm4b:s2+s24], $0x80, v5, vm0, $0xb8;
	[tilespmem:$0x10100] =	vst v63  }
0x15c: {  	s26 =	simm.s32 $0x8900  }
0x15d: {  	[tilespmem:s26], [sflag:$0x2] =	stream.indirect_vreg.gather [hbm4b:s2+s24], $0x80, v4, vm0, $0xb8;
	[tilespmem:$0x10100] =	vst v63  }
0x15e: {  	v4 =	vld [tilespmem:$0x90];
	_ =	sdelay $0x4  }
0x15f: {  	v5 =	vshll.u32 v4, $0x1  }
0x160: {  	v4 =	vand.u32 $0x7, v4;
	v5 =	vand.u32 $0xFFFFFFF0, v5  }
0x161: {  	v4 =	vor.u32 v4, v5  }
0x162: {  	v5 =	vperm.xlane v4, v0;
	_ =	sdelay $0x1  }
0x163: {  	v4 =	vperm.xlane v4, v2;
	v5 =	vadd.s32 v3, v5;
	_ =	sdelay $0x1  }
0x164: {  	v4 =	vadd.s32 v3, v4;
	_ =	sdelay $0x1  }
0x165: {  	s26 =	simm.s32 $0x9100  }
0x166: {  	[tilespmem:s26], [sflag:$0x2] =	stream.indirect_vreg.gather [hbm4b:s2+s24], $0x80, v5, vm0, $0xb8;
	[tilespmem:$0x10100] =	vst v63  }
0x167: {  	s26 =	simm.s32 $0x9900  }
0x168: {  	[tilespmem:s26], [sflag:$0x2] =	stream.indirect_vreg.gather [hbm4b:s2+s24], $0x80, v4, vm0, $0xb8;
	[tilespmem:$0x10100] =	vst v63  }
0x169: {  	v4 =	vld [tilespmem:$0xA0];
	_ =	sdelay $0x4  }
0x16a: {  	v5 =	vshll.u32 v4, $0x1  }
0x16b: {  	v4 =	vand.u32 $0x7, v4;
	v5 =	vand.u32 $0xFFFFFFF0, v5  }
0x16c: {  	v4 =	vor.u32 v4, v5  }
0x16d: {  	v5 =	vperm.xlane v4, v0;
	_ =	sdelay $0x1  }
0x16e: {  	v4 =	vperm.xlane v4, v2;
	v5 =	vadd.s32 v3, v5;
	_ =	sdelay $0x1  }
0x16f: {  	v4 =	vadd.s32 v3, v4;
	_ =	sdelay $0x1  }
0x170: {  	s26 =	simm.s32 $0xA100  }
0x171: {  	[tilespmem:s26], [sflag:$0x2] =	stream.indirect_vreg.gather [hbm4b:s2+s24], $0x80, v5, vm0, $0xb8;
	[tilespmem:$0x10100] =	vst v63  }
0x172: {  	s26 =	simm.s32 $0xA900  }
0x173: {  	[tilespmem:s26], [sflag:$0x2] =	stream.indirect_vreg.gather [hbm4b:s2+s24], $0x80, v4, vm0, $0xb8;
	[tilespmem:$0x10100] =	vst v63  }
0x174: {  	v4 =	vld [tilespmem:$0xB0];
	_ =	sdelay $0x4  }
0x175: {  	v5 =	vshll.u32 v4, $0x1  }
0x176: {  	v4 =	vand.u32 $0x7, v4;
	v5 =	vand.u32 $0xFFFFFFF0, v5  }
0x177: {  	v4 =	vor.u32 v4, v5  }
0x178: {  	v5 =	vperm.xlane v4, v0;
	_ =	sdelay $0x1  }
0x179: {  	v4 =	vperm.xlane v4, v2;
	v5 =	vadd.s32 v3, v5;
	_ =	sdelay $0x1  }
0x17a: {  	v4 =	vadd.s32 v3, v4;
	_ =	sdelay $0x2  }
0x17b: {  	[tilespmem:s29], [sflag:$0x2] =	stream.indirect_vreg.gather [hbm4b:s2+s24], $0x80, v5, vm0, $0xb8;
	[tilespmem:$0x10100] =	vst v63  }
0x17c: {  	_ = 	snop  }
0x17d: {  	[tilespmem:s30], [sflag:$0x2] =	stream.indirect_vreg.gather [hbm4b:s2+s24], $0x80, v4, vm0, $0xb8;
	[tilespmem:$0x10100] =	vst v63  }
0x17e: {  	v4 =	vld [tilespmem:$0xC0];
	_ =	sdelay $0x4  }
0x17f: {  	v5 =	vshll.u32 v4, $0x1  }
0x180: {  	v4 =	vand.u32 $0x7, v4;
	v5 =	vand.u32 $0xFFFFFFF0, v5  }
0x181: {  	v4 =	vor.u32 v4, v5  }
0x182: {  	v5 =	vperm.xlane v4, v0;
	_ =	sdelay $0x1  }
0x183: {  	v4 =	vperm.xlane v4, v2;
	v5 =	vadd.s32 v3, v5;
	_ =	sdelay $0x1  }
0x184: {  	v4 =	vadd.s32 v3, v4;
	_ =	sdelay $0x2  }
0x185: {  	[tilespmem:s31], [sflag:$0x2] =	stream.indirect_vreg.gather [hbm4b:s2+s24], $0x80, v5, vm0, $0xb8;
	[tilespmem:$0x10100] =	vst v63  }
0x186: {  	_ = 	snop  }
0x187: {  	[tilespmem:s0], [sflag:$0x2] =	stream.indirect_vreg.gather [hbm4b:s2+s24], $0x80, v4, vm0, $0xb8;
	[tilespmem:$0x10100] =	vst v63  }
0x188: {  	v4 =	vld [tilespmem:$0xD0];
	_ =	sdelay $0x4  }
0x189: {  	v5 =	vshll.u32 v4, $0x1  }
0x18a: {  	v4 =	vand.u32 $0x7, v4;
	v5 =	vand.u32 $0xFFFFFFF0, v5  }
0x18b: {  	v4 =	vor.u32 v4, v5  }
0x18c: {  	v5 =	vperm.xlane v4, v0;
	_ =	sdelay $0x1  }
0x18d: {  	v4 =	vperm.xlane v4, v2;
	v5 =	vadd.s32 v3, v5;
	_ =	sdelay $0x1  }
0x18e: {  	v4 =	vadd.s32 v3, v4;
	_ =	sdelay $0x2  }
0x18f: {  	[tilespmem:s3], [sflag:$0x2] =	stream.indirect_vreg.gather [hbm4b:s2+s24], $0x80, v5, vm0, $0xb8;
	[tilespmem:$0x10100] =	vst v63  }
0x190: {  	_ = 	snop  }
0x191: {  	[tilespmem:s5], [sflag:$0x2] =	stream.indirect_vreg.gather [hbm4b:s2+s24], $0x80, v4, vm0, $0xb8;
	[tilespmem:$0x10100] =	vst v63  }
0x192: {  	v4 =	vld [tilespmem:$0xE0];
	_ =	sdelay $0x4  }
0x193: {  	v5 =	vshll.u32 v4, $0x1  }
0x194: {  	v4 =	vand.u32 $0x7, v4;
	v5 =	vand.u32 $0xFFFFFFF0, v5  }
0x195: {  	v4 =	vor.u32 v4, v5  }
0x196: {  	v5 =	vperm.xlane v4, v0;
	_ =	sdelay $0x1  }
0x197: {  	v4 =	vperm.xlane v4, v2;
	v5 =	vadd.s32 v3, v5;
	_ =	sdelay $0x1  }
0x198: {  	v4 =	vadd.s32 v3, v4;
	_ =	sdelay $0x2  }
0x199: {  	[tilespmem:s6], [sflag:$0x2] =	stream.indirect_vreg.gather [hbm4b:s2+s24], $0x80, v5, vm0, $0xb8;
	[tilespmem:$0x10100] =	vst v63  }
0x19a: {  	_ = 	snop  }
0x19b: {  	[tilespmem:s9], [sflag:$0x2] =	stream.indirect_vreg.gather [hbm4b:s2+s24], $0x80, v4, vm0, $0xb8;
	[tilespmem:$0x10100] =	vst v63  }
0x19c: {  	v4 =	vld [tilespmem:$0xF0];
	_ =	sdelay $0x4  }
0x19d: {  	v5 =	vshll.u32 v4, $0x1  }
0x19e: {  	v4 =	vand.u32 $0x7, v4;
	v5 =	vand.u32 $0xFFFFFFF0, v5  }
0x19f: {  	v4 =	vor.u32 v4, v5  }
0x1a0: {  	v5 =	vperm.xlane v4, v0;
	_ =	sdelay $0x1  }
0x1a1: {  	v4 =	vperm.xlane v4, v2;
	v5 =	vadd.s32 v3, v5;
	_ =	sdelay $0x1  }
0x1a2: {  	v4 =	vadd.s32 v3, v4;
	_ =	sdelay $0x2  }
0x1a3: {  	[tilespmem:s10], [sflag:$0x2] =	stream.indirect_vreg.gather [hbm4b:s2+s24], $0x80, v5, vm0, $0xb8;
	[tilespmem:$0x10100] =	vst v63  }
0x1a4: {  	_ = 	snop  }
0x1a5: {  	[tilespmem:s13], [sflag:$0x2] =	stream.indirect_vreg.gather [hbm4b:s2+s24], $0x80, v4, vm0, $0xb8;
	[tilespmem:$0x10100] =	vst v63  }
0x1a6: {  	_ =	swait.ge [sflag:s14], $0x8000  }
0x1a7: {  	[sflag:s14] =	ssyncset.done $0x0  }
0x1a8: {  	s28 =	sadd.s32 $0x0, s11;
	s26 =	simm.s32 $0x500;
	[sflag:s14] =	ssyncadd.s32 $0xFFFF8000  }
0x1a9: {  	[hbm4b:s28+s23] =	stream.strided.scatter [tilespmem:s25], [sflag:$0x3], $0x400, s18, s23, $0x38;
	[tilespmem:$0x10100] =	vst v63  }
0x1aa: {  	s24 =	simm.s32 $0x400;
	s28 =	sadd.s32 $0x40, s28;
	s25 =	simm.s32 $0x900  }
.LBB2_6:
0x1ab: {  	[hbm4b:s28+s23] =	stream.strided.scatter [tilespmem:s26], [sflag:$0x3], $0x400, s18, s23, $0x38;
	[tilespmem:$0x10100] =	vst v63  }
0x1ac: {  	s26 =	smov.u32 s24;
	p0 =	sne.s32 s24, $0x3C00  }
.Ltmp2:
0x1ad: {  	s24 =	sadd.s32 $0x400, s24;
	(pc) =	sbr.rel @p0 .LBB2_6-.Ltmp2, $4  }
0x1ae: {  	_ = 	snop  }
0x1af: {  	s28 =	sadd.s32 s26, s11  }
0x1b0: {  	[hbm4b:s28+s23] =	stream.strided.scatter [tilespmem:s25], [sflag:$0x3], $0x400, s18, s23, $0x38;
	[tilespmem:$0x10100] =	vst v63  }
0x1b1: {  	s26 =	sadd.s32 $0x400, s25;
	s28 =	sadd.s32 $0x40, s28;
	s25 =	sadd.s32 $0x800, s25  }
0x1b2: {  	[hbm4b:s28+s23] =	stream.strided.scatter [tilespmem:s26], [sflag:$0x3], $0x400, s18, s23, $0x38;
	[tilespmem:$0x10100] =	vst v63  }
0x1b3: {  	_ =	swait.ge [sflag:s22], $0x8000  }
0x1b4: {  	s24 =	simm.s32 $0x8100;
	[sflag:s22] =	ssyncset.done $0x0  }
0x1b5: {  	s25 =	sadd.s32 $0x0, s12;
	s26 =	simm.s32 $0x8500;
	[sflag:s22] =	ssyncadd.s32 $0xFFFF8000  }
0x1b6: {  	[hbm4b:s25+s23] =	stream.strided.scatter [tilespmem:s24], [sflag:$0x3], $0x400, s18, s23, $0x38;
	[tilespmem:$0x10100] =	vst v63  }
0x1b7: {  	s28 =	sadd.s32 $0x40, s25;
	s24 =	simm.s32 $0x400;
	s25 =	simm.s32 $0x8900  }
.LBB2_8:
0x1b8: {  	[hbm4b:s28+s23] =	stream.strided.scatter [tilespmem:s26], [sflag:$0x3], $0x400, s18, s23, $0x38;
	[tilespmem:$0x10100] =	vst v63  }
0x1b9: {  	s26 =	smov.u32 s24;
	p0 =	sne.s32 s24, $0x3C00  }
.Ltmp3:
0x1ba: {  	s24 =	sadd.s32 $0x400, s24;
	(pc) =	sbr.rel @p0 .LBB2_8-.Ltmp3, $4  }
0x1bb: {  	_ = 	snop  }
0x1bc: {  	s28 =	sadd.s32 s26, s12  }
0x1bd: {  	[hbm4b:s28+s23] =	stream.strided.scatter [tilespmem:s25], [sflag:$0x3], $0x400, s18, s23, $0x38;
	[tilespmem:$0x10100] =	vst v63  }
0x1be: {  	s26 =	sadd.s32 $0x400, s25;
	s28 =	sadd.s32 $0x40, s28;
	s25 =	sadd.s32 $0x800, s25  }
0x1bf: {  	[hbm4b:s28+s23] =	stream.strided.scatter [tilespmem:s26], [sflag:$0x3], $0x400, s18, s23, $0x38;
	[tilespmem:$0x10100] =	vst v63  }
0x1c0: {  	_ =	swait.ge [sflag:s22], $0x8000  }
0x1c1: {  	[sflag:s22] =	ssyncset.done $0x0  }
0x1c2: {  	s24 =	simm.s32 $0x0;
	s25 =	rddreg [dreg:$0xa];
	[sflag:s22] =	ssyncadd.s32 $0xFFFF8000  }
0x1c3: {  	[tilespmem:s24], [sflag:$0x3] =	stream.linear.gather [hbm4b:s25+s24], $0x80, $0x38;
	[tilespmem:$0x10100] =	vst v63  }
0x1c4: {  	_ =	swait.ge [sflag:s22], $0x80  }
0x1c5: {  	[sflag:s22] =	ssyncset.done $0x0  }
0x1c6: {  	s26 =	rddreg [dreg:$0xb];
	[sflag:s22] =	ssyncadd.s32 $0xFFFFFF80  }
0x1c7: {  	[tilespmem:s23], [sflag:$0x3] =	stream.linear.gather [hbm4b:s26+s24], $0x80, $0x38;
	[tilespmem:$0x10100] =	vst v63  }
0x1c8: {  	_ =	swait.ge [sflag:s22], $0x80  }
0x1c9: {  	[sflag:s22] =	ssyncset.done $0x0  }
0x1ca: {  	[sflag:s22] =	ssyncadd.s32 $0xFFFFFF80  }
0x1cb: {  	v4 =	vld [tilespmem:$0x0];
	_ =	sdelay $0x4  }
0x1cc: {  	v5 =	vshll.u32 v4, $0x1  }
0x1cd: {  	v4 =	vand.u32 $0x1, v4;
	v5 =	vand.u32 $0xFFFFFFFC, v5  }
0x1ce: {  	v4 =	vor.u32 v4, v5  }
0x1cf: {  	v5 =	vperm.xlane v4, v0;
	_ =	sdelay $0x1  }
0x1d0: {  	v4 =	vperm.xlane v4, v2;
	v5 =	vadd.s32 v1, v5;
	_ =	sdelay $0x1  }
0x1d1: {  	v4 =	vadd.s32 v1, v4;
	_ =	sdelay $0x1  }
0x1d2: {  	s25 =	simm.s32 $0x100  }
0x1d3: {  	[tilespmem:s25], [sflag:$0x1] =	stream.indirect_vreg.gather [hbm4b:s1+s24], $0x80, v5, vm0, $0xb8;
	[tilespmem:$0x10100] =	vst v63  }
0x1d4: {  	s26 =	simm.s32 $0x900  }
0x1d5: {  	[tilespmem:s26], [sflag:$0x1] =	stream.indirect_vreg.gather [hbm4b:s1+s24], $0x80, v4, vm0, $0xb8;
	[tilespmem:$0x10100] =	vst v63  }
0x1d6: {  	v4 =	vld [tilespmem:$0x10];
	_ =	sdelay $0x4  }
0x1d7: {  	v5 =	vshll.u32 v4, $0x1  }
0x1d8: {  	v4 =	vand.u32 $0x1, v4;
	v5 =	vand.u32 $0xFFFFFFFC, v5  }
0x1d9: {  	v4 =	vor.u32 v4, v5  }
0x1da: {  	v5 =	vperm.xlane v4, v0;
	_ =	sdelay $0x1  }
0x1db: {  	v4 =	vperm.xlane v4, v2;
	v5 =	vadd.s32 v1, v5;
	_ =	sdelay $0x1  }
0x1dc: {  	v4 =	vadd.s32 v1, v4;
	_ =	sdelay $0x1  }
0x1dd: {  	s26 =	simm.s32 $0x1100  }
0x1de: {  	[tilespmem:s26], [sflag:$0x1] =	stream.indirect_vreg.gather [hbm4b:s1+s24], $0x80, v5, vm0, $0xb8;
	[tilespmem:$0x10100] =	vst v63  }
0x1df: {  	s26 =	simm.s32 $0x1900  }
0x1e0: {  	[tilespmem:s26], [sflag:$0x1] =	stream.indirect_vreg.gather [hbm4b:s1+s24], $0x80, v4, vm0, $0xb8;
	[tilespmem:$0x10100] =	vst v63  }
0x1e1: {  	v4 =	vld [tilespmem:$0x20];
	_ =	sdelay $0x4  }
0x1e2: {  	v5 =	vshll.u32 v4, $0x1  }
0x1e3: {  	v4 =	vand.u32 $0x1, v4;
	v5 =	vand.u32 $0xFFFFFFFC, v5  }
0x1e4: {  	v4 =	vor.u32 v4, v5  }
0x1e5: {  	v5 =	vperm.xlane v4, v0;
	_ =	sdelay $0x1  }
0x1e6: {  	v4 =	vperm.xlane v4, v2;
	v5 =	vadd.s32 v1, v5;
	_ =	sdelay $0x1  }
0x1e7: {  	v4 =	vadd.s32 v1, v4;
	_ =	sdelay $0x1  }
0x1e8: {  	s26 =	simm.s32 $0x2100  }
0x1e9: {  	[tilespmem:s26], [sflag:$0x1] =	stream.indirect_vreg.gather [hbm4b:s1+s24], $0x80, v5, vm0, $0xb8;
	[tilespmem:$0x10100] =	vst v63  }
0x1ea: {  	s26 =	simm.s32 $0x2900  }
0x1eb: {  	[tilespmem:s26], [sflag:$0x1] =	stream.indirect_vreg.gather [hbm4b:s1+s24], $0x80, v4, vm0, $0xb8;
	[tilespmem:$0x10100] =	vst v63  }
0x1ec: {  	v4 =	vld [tilespmem:$0x30];
	_ =	sdelay $0x4  }
0x1ed: {  	v5 =	vshll.u32 v4, $0x1  }
0x1ee: {  	v4 =	vand.u32 $0x1, v4;
	v5 =	vand.u32 $0xFFFFFFFC, v5  }
0x1ef: {  	v4 =	vor.u32 v4, v5  }
0x1f0: {  	v5 =	vperm.xlane v4, v0;
	_ =	sdelay $0x1  }
0x1f1: {  	v4 =	vperm.xlane v4, v2;
	v5 =	vadd.s32 v1, v5;
	_ =	sdelay $0x1  }
0x1f2: {  	v4 =	vadd.s32 v1, v4;
	_ =	sdelay $0x1  }
0x1f3: {  	s26 =	simm.s32 $0x3100  }
0x1f4: {  	[tilespmem:s26], [sflag:$0x1] =	stream.indirect_vreg.gather [hbm4b:s1+s24], $0x80, v5, vm0, $0xb8;
	[tilespmem:$0x10100] =	vst v63  }
0x1f5: {  	s26 =	simm.s32 $0x3900  }
0x1f6: {  	[tilespmem:s26], [sflag:$0x1] =	stream.indirect_vreg.gather [hbm4b:s1+s24], $0x80, v4, vm0, $0xb8;
	[tilespmem:$0x10100] =	vst v63  }
0x1f7: {  	v4 =	vld [tilespmem:$0x40];
	_ =	sdelay $0x4  }
0x1f8: {  	v5 =	vshll.u32 v4, $0x1  }
0x1f9: {  	v4 =	vand.u32 $0x1, v4;
	v5 =	vand.u32 $0xFFFFFFFC, v5  }
0x1fa: {  	v4 =	vor.u32 v4, v5  }
0x1fb: {  	v5 =	vperm.xlane v4, v0;
	_ =	sdelay $0x1  }
0x1fc: {  	v4 =	vperm.xlane v4, v2;
	v5 =	vadd.s32 v1, v5;
	_ =	sdelay $0x1  }
0x1fd: {  	v4 =	vadd.s32 v1, v4;
	_ =	sdelay $0x1  }
0x1fe: {  	s26 =	simm.s32 $0x4100  }
0x1ff: {  	[tilespmem:s26], [sflag:$0x1] =	stream.indirect_vreg.gather [hbm4b:s1+s24], $0x80, v5, vm0, $0xb8;
	[tilespmem:$0x10100] =	vst v63  }
0x200: {  	s26 =	simm.s32 $0x4900  }
0x201: {  	[tilespmem:s26], [sflag:$0x1] =	stream.indirect_vreg.gather [hbm4b:s1+s24], $0x80, v4, vm0, $0xb8;
	[tilespmem:$0x10100] =	vst v63  }
0x202: {  	v4 =	vld [tilespmem:$0x50];
	_ =	sdelay $0x4  }
0x203: {  	v5 =	vshll.u32 v4, $0x1  }
0x204: {  	v4 =	vand.u32 $0x1, v4;
	v5 =	vand.u32 $0xFFFFFFFC, v5  }
0x205: {  	v4 =	vor.u32 v4, v5  }
0x206: {  	v5 =	vperm.xlane v4, v0;
	_ =	sdelay $0x1  }
0x207: {  	v4 =	vperm.xlane v4, v2;
	v5 =	vadd.s32 v1, v5;
	_ =	sdelay $0x1  }
0x208: {  	v4 =	vadd.s32 v1, v4;
	_ =	sdelay $0x1  }
0x209: {  	s26 =	simm.s32 $0x5100  }
0x20a: {  	[tilespmem:s26], [sflag:$0x1] =	stream.indirect_vreg.gather [hbm4b:s1+s24], $0x80, v5, vm0, $0xb8;
	[tilespmem:$0x10100] =	vst v63  }
0x20b: {  	s26 =	simm.s32 $0x5900  }
0x20c: {  	[tilespmem:s26], [sflag:$0x1] =	stream.indirect_vreg.gather [hbm4b:s1+s24], $0x80, v4, vm0, $0xb8;
	[tilespmem:$0x10100] =	vst v63  }
0x20d: {  	v4 =	vld [tilespmem:$0x60];
	_ =	sdelay $0x4  }
0x20e: {  	v5 =	vshll.u32 v4, $0x1  }
0x20f: {  	v4 =	vand.u32 $0x1, v4;
	v5 =	vand.u32 $0xFFFFFFFC, v5  }
0x210: {  	v4 =	vor.u32 v4, v5  }
0x211: {  	v5 =	vperm.xlane v4, v0;
	_ =	sdelay $0x1  }
0x212: {  	v4 =	vperm.xlane v4, v2;
	v5 =	vadd.s32 v1, v5;
	_ =	sdelay $0x1  }
0x213: {  	v4 =	vadd.s32 v1, v4;
	_ =	sdelay $0x1  }
0x214: {  	s26 =	simm.s32 $0x6100  }
0x215: {  	[tilespmem:s26], [sflag:$0x1] =	stream.indirect_vreg.gather [hbm4b:s1+s24], $0x80, v5, vm0, $0xb8;
	[tilespmem:$0x10100] =	vst v63  }
0x216: {  	s26 =	simm.s32 $0x6900  }
0x217: {  	[tilespmem:s26], [sflag:$0x1] =	stream.indirect_vreg.gather [hbm4b:s1+s24], $0x80, v4, vm0, $0xb8;
	[tilespmem:$0x10100] =	vst v63  }
0x218: {  	v4 =	vld [tilespmem:$0x70];
	_ =	sdelay $0x4  }
0x219: {  	v5 =	vshll.u32 v4, $0x1  }
0x21a: {  	v4 =	vand.u32 $0x1, v4;
	v5 =	vand.u32 $0xFFFFFFFC, v5  }
0x21b: {  	v4 =	vor.u32 v4, v5  }
0x21c: {  	v5 =	vperm.xlane v4, v0;
	_ =	sdelay $0x1  }
0x21d: {  	v4 =	vperm.xlane v4, v2;
	v5 =	vadd.s32 v1, v5;
	_ =	sdelay $0x1  }
0x21e: {  	v4 =	vadd.s32 v1, v4;
	_ =	sdelay $0x1  }
0x21f: {  	s26 =	simm.s32 $0x7100  }
0x220: {  	[tilespmem:s26], [sflag:$0x1] =	stream.indirect_vreg.gather [hbm4b:s1+s24], $0x80, v5, vm0, $0xb8;
	[tilespmem:$0x10100] =	vst v63  }
0x221: {  	s26 =	simm.s32 $0x7900  }
0x222: {  	[tilespmem:s26], [sflag:$0x1] =	stream.indirect_vreg.gather [hbm4b:s1+s24], $0x80, v4, vm0, $0xb8;
	[tilespmem:$0x10100] =	vst v63  }
0x223: {  	_ =	swait.ge [sflag:s17], $0x8000  }
0x224: {  	[sflag:s17] =	ssyncset.done $0x0  }
0x225: {  	[sflag:s17] =	ssyncadd.s32 $0xFFFF8000  }
0x226: {  	v4 =	vld [tilespmem:$0x80];
	_ =	sdelay $0x4  }
0x227: {  	v5 =	vshll.u32 v4, $0x1  }
0x228: {  	v4 =	vand.u32 $0x7, v4;
	v5 =	vand.u32 $0xFFFFFFF0, v5  }
0x229: {  	v4 =	vor.u32 v4, v5  }
0x22a: {  	v5 =	vperm.xlane v4, v0;
	_ =	sdelay $0x1  }
0x22b: {  	v4 =	vperm.xlane v4, v2;
	v5 =	vadd.s32 v3, v5;
	_ =	sdelay $0x1  }
0x22c: {  	v4 =	vadd.s32 v3, v4;
	_ =	sdelay $0x1  }
0x22d: {  	s26 =	simm.s32 $0x8100  }
0x22e: {  	[tilespmem:s26], [sflag:$0x2] =	stream.indirect_vreg.gather [hbm4b:s2+s24], $0x80, v5, vm0, $0xb8;
	[tilespmem:$0x10100] =	vst v63  }
0x22f: {  	s26 =	simm.s32 $0x8900  }
0x230: {  	[tilespmem:s26], [sflag:$0x2] =	stream.indirect_vreg.gather [hbm4b:s2+s24], $0x80, v4, vm0, $0xb8;
	[tilespmem:$0x10100] =	vst v63  }
0x231: {  	v4 =	vld [tilespmem:$0x90];
	_ =	sdelay $0x4  }
0x232: {  	v5 =	vshll.u32 v4, $0x1  }
0x233: {  	v4 =	vand.u32 $0x7, v4;
	v5 =	vand.u32 $0xFFFFFFF0, v5  }
0x234: {  	v4 =	vor.u32 v4, v5  }
0x235: {  	v5 =	vperm.xlane v4, v0;
	_ =	sdelay $0x1  }
0x236: {  	v4 =	vperm.xlane v4, v2;
	v5 =	vadd.s32 v3, v5;
	_ =	sdelay $0x1  }
0x237: {  	v4 =	vadd.s32 v3, v4;
	_ =	sdelay $0x1  }
0x238: {  	s26 =	simm.s32 $0x9100  }
0x239: {  	[tilespmem:s26], [sflag:$0x2] =	stream.indirect_vreg.gather [hbm4b:s2+s24], $0x80, v5, vm0, $0xb8;
	[tilespmem:$0x10100] =	vst v63  }
0x23a: {  	s26 =	simm.s32 $0x9900  }
0x23b: {  	[tilespmem:s26], [sflag:$0x2] =	stream.indirect_vreg.gather [hbm4b:s2+s24], $0x80, v4, vm0, $0xb8;
	[tilespmem:$0x10100] =	vst v63  }
0x23c: {  	v4 =	vld [tilespmem:$0xA0];
	_ =	sdelay $0x4  }
0x23d: {  	v5 =	vshll.u32 v4, $0x1  }
0x23e: {  	v4 =	vand.u32 $0x7, v4;
	v5 =	vand.u32 $0xFFFFFFF0, v5  }
0x23f: {  	v4 =	vor.u32 v4, v5  }
0x240: {  	v5 =	vperm.xlane v4, v0;
	_ =	sdelay $0x1  }
0x241: {  	v4 =	vperm.xlane v4, v2;
	v5 =	vadd.s32 v3, v5;
	_ =	sdelay $0x1  }
0x242: {  	v4 =	vadd.s32 v3, v4;
	_ =	sdelay $0x1  }
0x243: {  	s26 =	simm.s32 $0xA100  }
0x244: {  	[tilespmem:s26], [sflag:$0x2] =	stream.indirect_vreg.gather [hbm4b:s2+s24], $0x80, v5, vm0, $0xb8;
	[tilespmem:$0x10100] =	vst v63  }
0x245: {  	s26 =	simm.s32 $0xA900  }
0x246: {  	[tilespmem:s26], [sflag:$0x2] =	stream.indirect_vreg.gather [hbm4b:s2+s24], $0x80, v4, vm0, $0xb8;
	[tilespmem:$0x10100] =	vst v63  }
0x247: {  	v4 =	vld [tilespmem:$0xB0];
	_ =	sdelay $0x4  }
0x248: {  	v5 =	vshll.u32 v4, $0x1  }
0x249: {  	v4 =	vand.u32 $0x7, v4;
	v5 =	vand.u32 $0xFFFFFFF0, v5  }
0x24a: {  	v4 =	vor.u32 v4, v5  }
0x24b: {  	v5 =	vperm.xlane v4, v0;
	_ =	sdelay $0x1  }
0x24c: {  	v4 =	vperm.xlane v4, v2;
	v5 =	vadd.s32 v3, v5;
	_ =	sdelay $0x1  }
0x24d: {  	v4 =	vadd.s32 v3, v4;
	_ =	sdelay $0x2  }
0x24e: {  	[tilespmem:s29], [sflag:$0x2] =	stream.indirect_vreg.gather [hbm4b:s2+s24], $0x80, v5, vm0, $0xb8;
	[tilespmem:$0x10100] =	vst v63  }
0x24f: {  	_ = 	snop  }
0x250: {  	[tilespmem:s30], [sflag:$0x2] =	stream.indirect_vreg.gather [hbm4b:s2+s24], $0x80, v4, vm0, $0xb8;
	[tilespmem:$0x10100] =	vst v63  }
0x251: {  	v4 =	vld [tilespmem:$0xC0];
	_ =	sdelay $0x4  }
0x252: {  	v5 =	vshll.u32 v4, $0x1  }
0x253: {  	v4 =	vand.u32 $0x7, v4;
	v5 =	vand.u32 $0xFFFFFFF0, v5  }
0x254: {  	v4 =	vor.u32 v4, v5  }
0x255: {  	v5 =	vperm.xlane v4, v0;
	_ =	sdelay $0x1  }
0x256: {  	v4 =	vperm.xlane v4, v2;
	v5 =	vadd.s32 v3, v5;
	_ =	sdelay $0x1  }
0x257: {  	v4 =	vadd.s32 v3, v4;
	_ =	sdelay $0x2  }
0x258: {  	[tilespmem:s31], [sflag:$0x2] =	stream.indirect_vreg.gather [hbm4b:s2+s24], $0x80, v5, vm0, $0xb8;
	[tilespmem:$0x10100] =	vst v63  }
0x259: {  	_ = 	snop  }
0x25a: {  	[tilespmem:s0], [sflag:$0x2] =	stream.indirect_vreg.gather [hbm4b:s2+s24], $0x80, v4, vm0, $0xb8;
	[tilespmem:$0x10100] =	vst v63  }
0x25b: {  	v4 =	vld [tilespmem:$0xD0];
	_ =	sdelay $0x4  }
0x25c: {  	v5 =	vshll.u32 v4, $0x1  }
0x25d: {  	v4 =	vand.u32 $0x7, v4;
	v5 =	vand.u32 $0xFFFFFFF0, v5  }
0x25e: {  	v4 =	vor.u32 v4, v5  }
0x25f: {  	v5 =	vperm.xlane v4, v0;
	_ =	sdelay $0x1  }
0x260: {  	v4 =	vperm.xlane v4, v2;
	v5 =	vadd.s32 v3, v5;
	_ =	sdelay $0x1  }
0x261: {  	v4 =	vadd.s32 v3, v4;
	_ =	sdelay $0x2  }
0x262: {  	[tilespmem:s3], [sflag:$0x2] =	stream.indirect_vreg.gather [hbm4b:s2+s24], $0x80, v5, vm0, $0xb8;
	[tilespmem:$0x10100] =	vst v63  }
0x263: {  	_ = 	snop  }
0x264: {  	[tilespmem:s5], [sflag:$0x2] =	stream.indirect_vreg.gather [hbm4b:s2+s24], $0x80, v4, vm0, $0xb8;
	[tilespmem:$0x10100] =	vst v63  }
0x265: {  	v4 =	vld [tilespmem:$0xE0];
	_ =	sdelay $0x4  }
0x266: {  	v5 =	vshll.u32 v4, $0x1  }
0x267: {  	v4 =	vand.u32 $0x7, v4;
	v5 =	vand.u32 $0xFFFFFFF0, v5  }
0x268: {  	v4 =	vor.u32 v4, v5  }
0x269: {  	v5 =	vperm.xlane v4, v0;
	_ =	sdelay $0x1  }
0x26a: {  	v4 =	vperm.xlane v4, v2;
	v5 =	vadd.s32 v3, v5;
	_ =	sdelay $0x1  }
0x26b: {  	v4 =	vadd.s32 v3, v4;
	_ =	sdelay $0x2  }
0x26c: {  	[tilespmem:s6], [sflag:$0x2] =	stream.indirect_vreg.gather [hbm4b:s2+s24], $0x80, v5, vm0, $0xb8;
	[tilespmem:$0x10100] =	vst v63  }
0x26d: {  	_ = 	snop  }
0x26e: {  	[tilespmem:s9], [sflag:$0x2] =	stream.indirect_vreg.gather [hbm4b:s2+s24], $0x80, v4, vm0, $0xb8;
	[tilespmem:$0x10100] =	vst v63  }
0x26f: {  	v4 =	vld [tilespmem:$0xF0];
	_ =	sdelay $0x4  }
0x270: {  	v5 =	vshll.u32 v4, $0x1  }
0x271: {  	v4 =	vand.u32 $0x7, v4;
	v5 =	vand.u32 $0xFFFFFFF0, v5  }
0x272: {  	v4 =	vor.u32 v4, v5  }
0x273: {  	v5 =	vperm.xlane v4, v0;
	_ =	sdelay $0x1  }
0x274: {  	v4 =	vperm.xlane v4, v2;
	v5 =	vadd.s32 v3, v5;
	_ =	sdelay $0x1  }
0x275: {  	v4 =	vadd.s32 v3, v4;
	_ =	sdelay $0x2  }
0x276: {  	[tilespmem:s10], [sflag:$0x2] =	stream.indirect_vreg.gather [hbm4b:s2+s24], $0x80, v5, vm0, $0xb8;
	[tilespmem:$0x10100] =	vst v63  }
0x277: {  	_ = 	snop  }
0x278: {  	[tilespmem:s13], [sflag:$0x2] =	stream.indirect_vreg.gather [hbm4b:s2+s24], $0x80, v4, vm0, $0xb8;
	[tilespmem:$0x10100] =	vst v63  }
0x279: {  	_ =	swait.ge [sflag:s14], $0x8000  }
0x27a: {  	[sflag:s14] =	ssyncset.done $0x0  }
0x27b: {  	s28 =	sadd.s32 $0x0, s15;
	s26 =	simm.s32 $0x500;
	[sflag:s14] =	ssyncadd.s32 $0xFFFF8000  }
0x27c: {  	[hbm4b:s28+s23] =	stream.strided.scatter [tilespmem:s25], [sflag:$0x3], $0x400, s18, s23, $0x38;
	[tilespmem:$0x10100] =	vst v63  }
0x27d: {  	s24 =	simm.s32 $0x400;
	s28 =	sadd.s32 $0x40, s28;
	s25 =	simm.s32 $0x900  }
.LBB2_10:
0x27e: {  	[hbm4b:s28+s23] =	stream.strided.scatter [tilespmem:s26], [sflag:$0x3], $0x400, s18, s23, $0x38;
	[tilespmem:$0x10100] =	vst v63  }
0x27f: {  	s26 =	smov.u32 s24;
	p0 =	sne.s32 s24, $0x3C00  }
.Ltmp4:
0x280: {  	s24 =	sadd.s32 $0x400, s24;
	(pc) =	sbr.rel @p0 .LBB2_10-.Ltmp4, $4  }
0x281: {  	_ = 	snop  }
0x282: {  	s28 =	sadd.s32 s26, s15  }
0x283: {  	[hbm4b:s28+s23] =	stream.strided.scatter [tilespmem:s25], [sflag:$0x3], $0x400, s18, s23, $0x38;
	[tilespmem:$0x10100] =	vst v63  }
0x284: {  	s26 =	sadd.s32 $0x400, s25;
	s28 =	sadd.s32 $0x40, s28;
	s25 =	sadd.s32 $0x800, s25  }
0x285: {  	[hbm4b:s28+s23] =	stream.strided.scatter [tilespmem:s26], [sflag:$0x3], $0x400, s18, s23, $0x38;
	[tilespmem:$0x10100] =	vst v63  }
0x286: {  	_ =	swait.ge [sflag:s22], $0x8000  }
0x287: {  	s24 =	simm.s32 $0x8100;
	[sflag:s22] =	ssyncset.done $0x0  }
0x288: {  	s25 =	sadd.s32 $0x0, s16;
	s26 =	simm.s32 $0x8500;
	[sflag:s22] =	ssyncadd.s32 $0xFFFF8000  }
0x289: {  	[hbm4b:s25+s23] =	stream.strided.scatter [tilespmem:s24], [sflag:$0x3], $0x400, s18, s23, $0x38;
	[tilespmem:$0x10100] =	vst v63  }
0x28a: {  	s28 =	sadd.s32 $0x40, s25;
	s24 =	simm.s32 $0x400;
	s25 =	simm.s32 $0x8900  }
.LBB2_12:
0x28b: {  	[hbm4b:s28+s23] =	stream.strided.scatter [tilespmem:s26], [sflag:$0x3], $0x400, s18, s23, $0x38;
	[tilespmem:$0x10100] =	vst v63  }
0x28c: {  	s26 =	smov.u32 s24;
	p0 =	sne.s32 s24, $0x3C00  }
.Ltmp5:
0x28d: {  	s24 =	sadd.s32 $0x400, s24;
	(pc) =	sbr.rel @p0 .LBB2_12-.Ltmp5, $4  }
0x28e: {  	_ = 	snop  }
0x28f: {  	s28 =	sadd.s32 s26, s16  }
0x290: {  	[hbm4b:s28+s23] =	stream.strided.scatter [tilespmem:s25], [sflag:$0x3], $0x400, s18, s23, $0x38;
	[tilespmem:$0x10100] =	vst v63  }
0x291: {  	s26 =	sadd.s32 $0x400, s25;
	s28 =	sadd.s32 $0x40, s28;
	s25 =	sadd.s32 $0x800, s25  }
0x292: {  	[hbm4b:s28+s23] =	stream.strided.scatter [tilespmem:s26], [sflag:$0x3], $0x400, s18, s23, $0x38;
	[tilespmem:$0x10100] =	vst v63  }
0x293: {  	_ =	swait.ge [sflag:s22], $0x8000  }
0x294: {  	[sflag:s22] =	ssyncset.done $0x0  }
0x295: {  	s24 =	simm.s32 $0x0;
	s25 =	rddreg [dreg:$0xc];
	[sflag:s22] =	ssyncadd.s32 $0xFFFF8000  }
0x296: {  	[tilespmem:s24], [sflag:$0x3] =	stream.linear.gather [hbm4b:s25+s24], $0x80, $0x38;
	[tilespmem:$0x10100] =	vst v63  }
0x297: {  	_ =	swait.ge [sflag:s22], $0x80  }
0x298: {  	[sflag:s22] =	ssyncset.done $0x0  }
0x299: {  	s26 =	rddreg [dreg:$0xd];
	[sflag:s22] =	ssyncadd.s32 $0xFFFFFF80  }
0x29a: {  	[tilespmem:s23], [sflag:$0x3] =	stream.linear.gather [hbm4b:s26+s24], $0x80, $0x38;
	[tilespmem:$0x10100] =	vst v63  }
0x29b: {  	_ =	swait.ge [sflag:s22], $0x80  }
0x29c: {  	[sflag:s22] =	ssyncset.done $0x0  }
0x29d: {  	[sflag:s22] =	ssyncadd.s32 $0xFFFFFF80  }
0x29e: {  	v4 =	vld [tilespmem:$0x0];
	_ =	sdelay $0x4  }
0x29f: {  	v5 =	vshll.u32 v4, $0x1  }
0x2a0: {  	v4 =	vand.u32 $0x1, v4;
	v5 =	vand.u32 $0xFFFFFFFC, v5  }
0x2a1: {  	v4 =	vor.u32 v4, v5  }
0x2a2: {  	v5 =	vperm.xlane v4, v0;
	_ =	sdelay $0x1  }
0x2a3: {  	v4 =	vperm.xlane v4, v2;
	v5 =	vadd.s32 v1, v5;
	_ =	sdelay $0x1  }
0x2a4: {  	v4 =	vadd.s32 v1, v4;
	_ =	sdelay $0x1  }
0x2a5: {  	s25 =	simm.s32 $0x100  }
0x2a6: {  	[tilespmem:s25], [sflag:$0x1] =	stream.indirect_vreg.gather [hbm4b:s1+s24], $0x80, v5, vm0, $0xb8;
	[tilespmem:$0x10100] =	vst v63  }
0x2a7: {  	s26 =	simm.s32 $0x900  }
0x2a8: {  	[tilespmem:s26], [sflag:$0x1] =	stream.indirect_vreg.gather [hbm4b:s1+s24], $0x80, v4, vm0, $0xb8;
	[tilespmem:$0x10100] =	vst v63  }
0x2a9: {  	v4 =	vld [tilespmem:$0x10];
	_ =	sdelay $0x4  }
0x2aa: {  	v5 =	vshll.u32 v4, $0x1  }
0x2ab: {  	v4 =	vand.u32 $0x1, v4;
	v5 =	vand.u32 $0xFFFFFFFC, v5  }
0x2ac: {  	v4 =	vor.u32 v4, v5  }
0x2ad: {  	v5 =	vperm.xlane v4, v0;
	_ =	sdelay $0x1  }
0x2ae: {  	v4 =	vperm.xlane v4, v2;
	v5 =	vadd.s32 v1, v5;
	_ =	sdelay $0x1  }
0x2af: {  	v4 =	vadd.s32 v1, v4;
	_ =	sdelay $0x1  }
0x2b0: {  	s26 =	simm.s32 $0x1100  }
0x2b1: {  	[tilespmem:s26], [sflag:$0x1] =	stream.indirect_vreg.gather [hbm4b:s1+s24], $0x80, v5, vm0, $0xb8;
	[tilespmem:$0x10100] =	vst v63  }
0x2b2: {  	s26 =	simm.s32 $0x1900  }
0x2b3: {  	[tilespmem:s26], [sflag:$0x1] =	stream.indirect_vreg.gather [hbm4b:s1+s24], $0x80, v4, vm0, $0xb8;
	[tilespmem:$0x10100] =	vst v63  }
0x2b4: {  	v4 =	vld [tilespmem:$0x20];
	_ =	sdelay $0x4  }
0x2b5: {  	v5 =	vshll.u32 v4, $0x1  }
0x2b6: {  	v4 =	vand.u32 $0x1, v4;
	v5 =	vand.u32 $0xFFFFFFFC, v5  }
0x2b7: {  	v4 =	vor.u32 v4, v5  }
0x2b8: {  	v5 =	vperm.xlane v4, v0;
	_ =	sdelay $0x1  }
0x2b9: {  	v4 =	vperm.xlane v4, v2;
	v5 =	vadd.s32 v1, v5;
	_ =	sdelay $0x1  }
0x2ba: {  	v4 =	vadd.s32 v1, v4;
	_ =	sdelay $0x1  }
0x2bb: {  	s26 =	simm.s32 $0x2100  }
0x2bc: {  	[tilespmem:s26], [sflag:$0x1] =	stream.indirect_vreg.gather [hbm4b:s1+s24], $0x80, v5, vm0, $0xb8;
	[tilespmem:$0x10100] =	vst v63  }
0x2bd: {  	s26 =	simm.s32 $0x2900  }
0x2be: {  	[tilespmem:s26], [sflag:$0x1] =	stream.indirect_vreg.gather [hbm4b:s1+s24], $0x80, v4, vm0, $0xb8;
	[tilespmem:$0x10100] =	vst v63  }
0x2bf: {  	v4 =	vld [tilespmem:$0x30];
	_ =	sdelay $0x4  }
0x2c0: {  	v5 =	vshll.u32 v4, $0x1  }
0x2c1: {  	v4 =	vand.u32 $0x1, v4;
	v5 =	vand.u32 $0xFFFFFFFC, v5  }
0x2c2: {  	v4 =	vor.u32 v4, v5  }
0x2c3: {  	v5 =	vperm.xlane v4, v0;
	_ =	sdelay $0x1  }
0x2c4: {  	v4 =	vperm.xlane v4, v2;
	v5 =	vadd.s32 v1, v5;
	_ =	sdelay $0x1  }
0x2c5: {  	v4 =	vadd.s32 v1, v4;
	_ =	sdelay $0x1  }
0x2c6: {  	s26 =	simm.s32 $0x3100  }
0x2c7: {  	[tilespmem:s26], [sflag:$0x1] =	stream.indirect_vreg.gather [hbm4b:s1+s24], $0x80, v5, vm0, $0xb8;
	[tilespmem:$0x10100] =	vst v63  }
0x2c8: {  	s26 =	simm.s32 $0x3900  }
0x2c9: {  	[tilespmem:s26], [sflag:$0x1] =	stream.indirect_vreg.gather [hbm4b:s1+s24], $0x80, v4, vm0, $0xb8;
	[tilespmem:$0x10100] =	vst v63  }
0x2ca: {  	v4 =	vld [tilespmem:$0x40];
	_ =	sdelay $0x4  }
0x2cb: {  	v5 =	vshll.u32 v4, $0x1  }
0x2cc: {  	v4 =	vand.u32 $0x1, v4;
	v5 =	vand.u32 $0xFFFFFFFC, v5  }
0x2cd: {  	v4 =	vor.u32 v4, v5  }
0x2ce: {  	v5 =	vperm.xlane v4, v0;
	_ =	sdelay $0x1  }
0x2cf: {  	v4 =	vperm.xlane v4, v2;
	v5 =	vadd.s32 v1, v5;
	_ =	sdelay $0x1  }
0x2d0: {  	v4 =	vadd.s32 v1, v4;
	_ =	sdelay $0x1  }
0x2d1: {  	s26 =	simm.s32 $0x4100  }
0x2d2: {  	[tilespmem:s26], [sflag:$0x1] =	stream.indirect_vreg.gather [hbm4b:s1+s24], $0x80, v5, vm0, $0xb8;
	[tilespmem:$0x10100] =	vst v63  }
0x2d3: {  	s26 =	simm.s32 $0x4900  }
0x2d4: {  	[tilespmem:s26], [sflag:$0x1] =	stream.indirect_vreg.gather [hbm4b:s1+s24], $0x80, v4, vm0, $0xb8;
	[tilespmem:$0x10100] =	vst v63  }
0x2d5: {  	v4 =	vld [tilespmem:$0x50];
	_ =	sdelay $0x4  }
0x2d6: {  	v5 =	vshll.u32 v4, $0x1  }
0x2d7: {  	v4 =	vand.u32 $0x1, v4;
	v5 =	vand.u32 $0xFFFFFFFC, v5  }
0x2d8: {  	v4 =	vor.u32 v4, v5  }
0x2d9: {  	v5 =	vperm.xlane v4, v0;
	_ =	sdelay $0x1  }
0x2da: {  	v4 =	vperm.xlane v4, v2;
	v5 =	vadd.s32 v1, v5;
	_ =	sdelay $0x1  }
0x2db: {  	v4 =	vadd.s32 v1, v4;
	_ =	sdelay $0x1  }
0x2dc: {  	s26 =	simm.s32 $0x5100  }
0x2dd: {  	[tilespmem:s26], [sflag:$0x1] =	stream.indirect_vreg.gather [hbm4b:s1+s24], $0x80, v5, vm0, $0xb8;
	[tilespmem:$0x10100] =	vst v63  }
0x2de: {  	s26 =	simm.s32 $0x5900  }
0x2df: {  	[tilespmem:s26], [sflag:$0x1] =	stream.indirect_vreg.gather [hbm4b:s1+s24], $0x80, v4, vm0, $0xb8;
	[tilespmem:$0x10100] =	vst v63  }
0x2e0: {  	v4 =	vld [tilespmem:$0x60];
	_ =	sdelay $0x4  }
0x2e1: {  	v5 =	vshll.u32 v4, $0x1  }
0x2e2: {  	v4 =	vand.u32 $0x1, v4;
	v5 =	vand.u32 $0xFFFFFFFC, v5  }
0x2e3: {  	v4 =	vor.u32 v4, v5  }
0x2e4: {  	v5 =	vperm.xlane v4, v0;
	_ =	sdelay $0x1  }
0x2e5: {  	v4 =	vperm.xlane v4, v2;
	v5 =	vadd.s32 v1, v5;
	_ =	sdelay $0x1  }
0x2e6: {  	v4 =	vadd.s32 v1, v4;
	_ =	sdelay $0x1  }
0x2e7: {  	s26 =	simm.s32 $0x6100  }
0x2e8: {  	[tilespmem:s26], [sflag:$0x1] =	stream.indirect_vreg.gather [hbm4b:s1+s24], $0x80, v5, vm0, $0xb8;
	[tilespmem:$0x10100] =	vst v63  }
0x2e9: {  	s26 =	simm.s32 $0x6900  }
0x2ea: {  	[tilespmem:s26], [sflag:$0x1] =	stream.indirect_vreg.gather [hbm4b:s1+s24], $0x80, v4, vm0, $0xb8;
	[tilespmem:$0x10100] =	vst v63  }
0x2eb: {  	v4 =	vld [tilespmem:$0x70];
	_ =	sdelay $0x4  }
0x2ec: {  	v5 =	vshll.u32 v4, $0x1  }
0x2ed: {  	v4 =	vand.u32 $0x1, v4;
	v5 =	vand.u32 $0xFFFFFFFC, v5  }
0x2ee: {  	v4 =	vor.u32 v4, v5  }
0x2ef: {  	v5 =	vperm.xlane v4, v0;
	_ =	sdelay $0x1  }
0x2f0: {  	v4 =	vperm.xlane v4, v2;
	v5 =	vadd.s32 v1, v5;
	_ =	sdelay $0x1  }
0x2f1: {  	v4 =	vadd.s32 v1, v4;
	_ =	sdelay $0x1  }
0x2f2: {  	s26 =	simm.s32 $0x7100  }
0x2f3: {  	[tilespmem:s26], [sflag:$0x1] =	stream.indirect_vreg.gather [hbm4b:s1+s24], $0x80, v5, vm0, $0xb8;
	[tilespmem:$0x10100] =	vst v63  }
0x2f4: {  	s26 =	simm.s32 $0x7900  }
0x2f5: {  	[tilespmem:s26], [sflag:$0x1] =	stream.indirect_vreg.gather [hbm4b:s1+s24], $0x80, v4, vm0, $0xb8;
	[tilespmem:$0x10100] =	vst v63  }
0x2f6: {  	_ =	swait.ge [sflag:s17], $0x8000  }
0x2f7: {  	[sflag:s17] =	ssyncset.done $0x0  }
0x2f8: {  	[sflag:s17] =	ssyncadd.s32 $0xFFFF8000  }
0x2f9: {  	v4 =	vld [tilespmem:$0x80];
	_ =	sdelay $0x4  }
0x2fa: {  	v5 =	vshll.u32 v4, $0x1  }
0x2fb: {  	v4 =	vand.u32 $0x7, v4;
	v5 =	vand.u32 $0xFFFFFFF0, v5  }
0x2fc: {  	v4 =	vor.u32 v4, v5  }
0x2fd: {  	v5 =	vperm.xlane v4, v0;
	_ =	sdelay $0x1  }
0x2fe: {  	v4 =	vperm.xlane v4, v2;
	v5 =	vadd.s32 v3, v5;
	_ =	sdelay $0x1  }
0x2ff: {  	v4 =	vadd.s32 v3, v4;
	_ =	sdelay $0x1  }
0x300: {  	s26 =	simm.s32 $0x8100  }
0x301: {  	[tilespmem:s26], [sflag:$0x2] =	stream.indirect_vreg.gather [hbm4b:s2+s24], $0x80, v5, vm0, $0xb8;
	[tilespmem:$0x10100] =	vst v63  }
0x302: {  	s26 =	simm.s32 $0x8900  }
0x303: {  	[tilespmem:s26], [sflag:$0x2] =	stream.indirect_vreg.gather [hbm4b:s2+s24], $0x80, v4, vm0, $0xb8;
	[tilespmem:$0x10100] =	vst v63  }
0x304: {  	v4 =	vld [tilespmem:$0x90];
	_ =	sdelay $0x4  }
0x305: {  	v5 =	vshll.u32 v4, $0x1  }
0x306: {  	v4 =	vand.u32 $0x7, v4;
	v5 =	vand.u32 $0xFFFFFFF0, v5  }
0x307: {  	v4 =	vor.u32 v4, v5  }
0x308: {  	v5 =	vperm.xlane v4, v0;
	_ =	sdelay $0x1  }
0x309: {  	v4 =	vperm.xlane v4, v2;
	v5 =	vadd.s32 v3, v5;
	_ =	sdelay $0x1  }
0x30a: {  	v4 =	vadd.s32 v3, v4;
	_ =	sdelay $0x1  }
0x30b: {  	s26 =	simm.s32 $0x9100  }
0x30c: {  	[tilespmem:s26], [sflag:$0x2] =	stream.indirect_vreg.gather [hbm4b:s2+s24], $0x80, v5, vm0, $0xb8;
	[tilespmem:$0x10100] =	vst v63  }
0x30d: {  	s26 =	simm.s32 $0x9900  }
0x30e: {  	[tilespmem:s26], [sflag:$0x2] =	stream.indirect_vreg.gather [hbm4b:s2+s24], $0x80, v4, vm0, $0xb8;
	[tilespmem:$0x10100] =	vst v63  }
0x30f: {  	v4 =	vld [tilespmem:$0xA0];
	_ =	sdelay $0x4  }
0x310: {  	v5 =	vshll.u32 v4, $0x1  }
0x311: {  	v4 =	vand.u32 $0x7, v4;
	v5 =	vand.u32 $0xFFFFFFF0, v5  }
0x312: {  	v4 =	vor.u32 v4, v5  }
0x313: {  	v5 =	vperm.xlane v4, v0;
	_ =	sdelay $0x1  }
0x314: {  	v4 =	vperm.xlane v4, v2;
	v5 =	vadd.s32 v3, v5;
	_ =	sdelay $0x1  }
0x315: {  	v4 =	vadd.s32 v3, v4;
	_ =	sdelay $0x1  }
0x316: {  	s26 =	simm.s32 $0xA100  }
0x317: {  	[tilespmem:s26], [sflag:$0x2] =	stream.indirect_vreg.gather [hbm4b:s2+s24], $0x80, v5, vm0, $0xb8;
	[tilespmem:$0x10100] =	vst v63  }
0x318: {  	s26 =	simm.s32 $0xA900  }
0x319: {  	[tilespmem:s26], [sflag:$0x2] =	stream.indirect_vreg.gather [hbm4b:s2+s24], $0x80, v4, vm0, $0xb8;
	[tilespmem:$0x10100] =	vst v63  }
0x31a: {  	v4 =	vld [tilespmem:$0xB0];
	_ =	sdelay $0x4  }
0x31b: {  	v5 =	vshll.u32 v4, $0x1  }
0x31c: {  	v4 =	vand.u32 $0x7, v4;
	v5 =	vand.u32 $0xFFFFFFF0, v5  }
0x31d: {  	v4 =	vor.u32 v4, v5  }
0x31e: {  	v5 =	vperm.xlane v4, v0;
	_ =	sdelay $0x1  }
0x31f: {  	v4 =	vperm.xlane v4, v2;
	v5 =	vadd.s32 v3, v5;
	_ =	sdelay $0x1  }
0x320: {  	v4 =	vadd.s32 v3, v4;
	_ =	sdelay $0x2  }
0x321: {  	[tilespmem:s29], [sflag:$0x2] =	stream.indirect_vreg.gather [hbm4b:s2+s24], $0x80, v5, vm0, $0xb8;
	[tilespmem:$0x10100] =	vst v63  }
0x322: {  	_ = 	snop  }
0x323: {  	[tilespmem:s30], [sflag:$0x2] =	stream.indirect_vreg.gather [hbm4b:s2+s24], $0x80, v4, vm0, $0xb8;
	[tilespmem:$0x10100] =	vst v63  }
0x324: {  	v4 =	vld [tilespmem:$0xC0];
	_ =	sdelay $0x4  }
0x325: {  	v5 =	vshll.u32 v4, $0x1  }
0x326: {  	v4 =	vand.u32 $0x7, v4;
	v5 =	vand.u32 $0xFFFFFFF0, v5  }
0x327: {  	v4 =	vor.u32 v4, v5  }
0x328: {  	v5 =	vperm.xlane v4, v0;
	_ =	sdelay $0x1  }
0x329: {  	v4 =	vperm.xlane v4, v2;
	v5 =	vadd.s32 v3, v5;
	_ =	sdelay $0x1  }
0x32a: {  	v4 =	vadd.s32 v3, v4;
	_ =	sdelay $0x2  }
0x32b: {  	[tilespmem:s31], [sflag:$0x2] =	stream.indirect_vreg.gather [hbm4b:s2+s24], $0x80, v5, vm0, $0xb8;
	[tilespmem:$0x10100] =	vst v63  }
0x32c: {  	_ = 	snop  }
0x32d: {  	[tilespmem:s0], [sflag:$0x2] =	stream.indirect_vreg.gather [hbm4b:s2+s24], $0x80, v4, vm0, $0xb8;
	[tilespmem:$0x10100] =	vst v63  }
0x32e: {  	v4 =	vld [tilespmem:$0xD0];
	_ =	sdelay $0x4  }
0x32f: {  	v5 =	vshll.u32 v4, $0x1  }
0x330: {  	v4 =	vand.u32 $0x7, v4;
	v5 =	vand.u32 $0xFFFFFFF0, v5  }
0x331: {  	v4 =	vor.u32 v4, v5  }
0x332: {  	v5 =	vperm.xlane v4, v0;
	_ =	sdelay $0x1  }
0x333: {  	v4 =	vperm.xlane v4, v2;
	v5 =	vadd.s32 v3, v5;
	_ =	sdelay $0x1  }
0x334: {  	v4 =	vadd.s32 v3, v4;
	_ =	sdelay $0x2  }
0x335: {  	[tilespmem:s3], [sflag:$0x2] =	stream.indirect_vreg.gather [hbm4b:s2+s24], $0x80, v5, vm0, $0xb8;
	[tilespmem:$0x10100] =	vst v63  }
0x336: {  	_ = 	snop  }
0x337: {  	[tilespmem:s5], [sflag:$0x2] =	stream.indirect_vreg.gather [hbm4b:s2+s24], $0x80, v4, vm0, $0xb8;
	[tilespmem:$0x10100] =	vst v63  }
0x338: {  	v4 =	vld [tilespmem:$0xE0];
	_ =	sdelay $0x4  }
0x339: {  	v5 =	vshll.u32 v4, $0x1  }
0x33a: {  	v4 =	vand.u32 $0x7, v4;
	v5 =	vand.u32 $0xFFFFFFF0, v5  }
0x33b: {  	v4 =	vor.u32 v4, v5  }
0x33c: {  	v5 =	vperm.xlane v4, v0;
	_ =	sdelay $0x1  }
0x33d: {  	v4 =	vperm.xlane v4, v2;
	v5 =	vadd.s32 v3, v5;
	_ =	sdelay $0x1  }
0x33e: {  	v4 =	vadd.s32 v3, v4;
	_ =	sdelay $0x2  }
0x33f: {  	[tilespmem:s6], [sflag:$0x2] =	stream.indirect_vreg.gather [hbm4b:s2+s24], $0x80, v5, vm0, $0xb8;
	[tilespmem:$0x10100] =	vst v63  }
0x340: {  	_ = 	snop  }
0x341: {  	[tilespmem:s9], [sflag:$0x2] =	stream.indirect_vreg.gather [hbm4b:s2+s24], $0x80, v4, vm0, $0xb8;
	[tilespmem:$0x10100] =	vst v63  }
0x342: {  	v4 =	vld [tilespmem:$0xF0];
	_ =	sdelay $0x4  }
0x343: {  	v5 =	vshll.u32 v4, $0x1  }
0x344: {  	v4 =	vand.u32 $0x7, v4;
	v5 =	vand.u32 $0xFFFFFFF0, v5  }
0x345: {  	v4 =	vor.u32 v4, v5  }
0x346: {  	v5 =	vperm.xlane v4, v0;
	_ =	sdelay $0x1  }
0x347: {  	v4 =	vperm.xlane v4, v2;
	v5 =	vadd.s32 v3, v5;
	_ =	sdelay $0x1  }
0x348: {  	v4 =	vadd.s32 v3, v4;
	_ =	sdelay $0x2  }
0x349: {  	[tilespmem:s10], [sflag:$0x2] =	stream.indirect_vreg.gather [hbm4b:s2+s24], $0x80, v5, vm0, $0xb8;
	[tilespmem:$0x10100] =	vst v63  }
0x34a: {  	_ = 	snop  }
0x34b: {  	[tilespmem:s13], [sflag:$0x2] =	stream.indirect_vreg.gather [hbm4b:s2+s24], $0x80, v4, vm0, $0xb8;
	[tilespmem:$0x10100] =	vst v63  }
0x34c: {  	_ =	swait.ge [sflag:s14], $0x8000  }
0x34d: {  	[sflag:s14] =	ssyncset.done $0x0  }
0x34e: {  	s28 =	sadd.s32 $0x0, s19;
	s26 =	simm.s32 $0x500;
	[sflag:s14] =	ssyncadd.s32 $0xFFFF8000  }
0x34f: {  	[hbm4b:s28+s23] =	stream.strided.scatter [tilespmem:s25], [sflag:$0x3], $0x400, s18, s23, $0x38;
	[tilespmem:$0x10100] =	vst v63  }
0x350: {  	s24 =	simm.s32 $0x400;
	s28 =	sadd.s32 $0x40, s28;
	s25 =	simm.s32 $0x900  }
.LBB2_14:
0x351: {  	[hbm4b:s28+s23] =	stream.strided.scatter [tilespmem:s26], [sflag:$0x3], $0x400, s18, s23, $0x38;
	[tilespmem:$0x10100] =	vst v63  }
0x352: {  	s26 =	smov.u32 s24;
	p0 =	sne.s32 s24, $0x3C00  }
.Ltmp6:
0x353: {  	s24 =	sadd.s32 $0x400, s24;
	(pc) =	sbr.rel @p0 .LBB2_14-.Ltmp6, $4  }
0x354: {  	_ = 	snop  }
0x355: {  	s28 =	sadd.s32 s26, s19  }
0x356: {  	[hbm4b:s28+s23] =	stream.strided.scatter [tilespmem:s25], [sflag:$0x3], $0x400, s18, s23, $0x38;
	[tilespmem:$0x10100] =	vst v63  }
0x357: {  	s26 =	sadd.s32 $0x400, s25;
	s28 =	sadd.s32 $0x40, s28;
	s25 =	sadd.s32 $0x800, s25  }
0x358: {  	[hbm4b:s28+s23] =	stream.strided.scatter [tilespmem:s26], [sflag:$0x3], $0x400, s18, s23, $0x38;
	[tilespmem:$0x10100] =	vst v63  }
0x359: {  	_ =	swait.ge [sflag:s22], $0x8000  }
0x35a: {  	s24 =	simm.s32 $0x8100;
	[sflag:s22] =	ssyncset.done $0x0  }
0x35b: {  	s25 =	sadd.s32 $0x0, s20;
	s26 =	simm.s32 $0x8500;
	[sflag:s22] =	ssyncadd.s32 $0xFFFF8000  }
0x35c: {  	[hbm4b:s25+s23] =	stream.strided.scatter [tilespmem:s24], [sflag:$0x3], $0x400, s18, s23, $0x38;
	[tilespmem:$0x10100] =	vst v63  }
0x35d: {  	s28 =	sadd.s32 $0x40, s25;
	s24 =	simm.s32 $0x400;
	s25 =	simm.s32 $0x8900  }
.LBB2_16:
0x35e: {  	[hbm4b:s28+s23] =	stream.strided.scatter [tilespmem:s26], [sflag:$0x3], $0x400, s18, s23, $0x38;
	[tilespmem:$0x10100] =	vst v63  }
0x35f: {  	s26 =	smov.u32 s24;
	p0 =	sne.s32 s24, $0x3C00  }
.Ltmp7:
0x360: {  	s24 =	sadd.s32 $0x400, s24;
	(pc) =	sbr.rel @p0 .LBB2_16-.Ltmp7, $4  }
0x361: {  	_ = 	snop  }
0x362: {  	s28 =	sadd.s32 s26, s20  }
0x363: {  	[hbm4b:s28+s23] =	stream.strided.scatter [tilespmem:s25], [sflag:$0x3], $0x400, s18, s23, $0x38;
	[tilespmem:$0x10100] =	vst v63  }
0x364: {  	s26 =	sadd.s32 $0x400, s25;
	s28 =	sadd.s32 $0x40, s28;
	s25 =	sadd.s32 $0x800, s25  }
0x365: {  	[hbm4b:s28+s23] =	stream.strided.scatter [tilespmem:s26], [sflag:$0x3], $0x400, s18, s23, $0x38;
	[tilespmem:$0x10100] =	vst v63  }
0x366: {  	_ =	swait.ge [sflag:s22], $0x8000  }
0x367: {  	s21 =	sadd.s32 $0x1, s21;
	s24 =	rddreg [dreg:$0xe]  }
0x368: {  	p0 =	sne.s32 s21, s24  }
.Ltmp8:
0x369: {  	_ = 	snop;
	(pc) =	sbr.rel @p0 .LBB2_1-.Ltmp8, $3  }
0x36a: {  	_ =	sdelay $0x1  }
0x36b: {  	[sflag:s22] =	ssyncset.done $0x0  }
0x36c: {  	[sflag:s22] =	ssyncadd.s32 $0xFFFF8000  }
0x36d: {  	_ =	sfence.sel $0x180000  }
0x36e: {  	[bflag:$0x0] =	sbarrier.arrive $0xFFFF  }
0x36f: {  	_ =	strace $0x90000047  }
0x370: {  	s0 =	stileid.u32;
	[bflag:$0x2] =	sbarrier.arrive $0xFFFF  }
0x371: {  	p0 =	sne.s32 s0, $0x0;
	s0 =	rddreg [dreg:$0x5]  }
0x372: {  	s0 =	sadd.s32 @!p0 $0x100000, s0  }
0x373: {  	[sflag:s0] =	ssyncadd.tile.s32 @!p0 $0x1;
	_ =	shalt  }
.Lfunc_end2:
_tile_overlayer_lowered:
.L_overlay_start_2:
0x374: {  	(tag) =	ssettag $0x2  }
0x375: {  	s0 =	rddreg [dreg:$0x0];
	s2 =	stileid.u32  }
0x376: {  	s1 =	rddreg [dreg:$0x1];
	p0 =	sne.s32 s2, $0x0  }
0x377: {  	s3 =	rddreg [dreg:$0x2];
	[bflag:$0x3] =	sbarrier.arrive $0xFFFF;
	s2 =	simm.s32 @!p0 $0x1C03  }
0x378: {  	[timem:s3], [sflag:s2] =	dma.local @!p0 [hbm:s0], s1  }
0x379: {  	s0 =	simm.s32 @!p0 $0x3  }
0x37a: {  	_ =	swait.ge @!p0 [sflag:s0], s1  }
0x37b: {  	s1 =	ssub.s32 @!p0 $0x0, s1;
	[sflag:s0] =	ssyncset.done @!p0 $0x0  }
0x37c: {  	[sflag:s0] =	ssyncadd.s32 @!p0 s1  }
0x37d: {  	[bflag:$0x3] =	sbarrier.arrive $0xFFFF  }
0x37e: {  	_ =	shalt  }

</sc_bundles>
